<compile_context>
chip_gen: v7x
topology: tpu7x:2x2x1
jax: 0.10.2.dev20260603
libtpu: 0.0.44.dev20260713+nightly
codegen_flags: <defaults>
</compile_context>

<pallas_src>
import jax
import jax.numpy as jnp
from jax import lax
from jax.experimental import pallas as pl
from jax.experimental.pallas import tpu as pltpu
from jax.experimental.pallas import tpu_sc as plsc

VOCAB = 100000
DIM = 128
BATCH = 16384
NUM_CORES = 2
NUM_SUBCORES = 16
LANES = 16
NUM_WORKERS = NUM_CORES * NUM_SUBCORES
PAIRS_PER_WORKER = BATCH // NUM_WORKERS
CHUNK = 128
NUM_CHUNKS = PAIRS_PER_WORKER // CHUNK
GROUPS = CHUNK // LANES

LN2 = 0.6931471805599453
LN100 = 4.605170185988092
ALPHA = 0.75
SQRT2 = 1.4142135


def _softln(x):
    bits = lax.bitcast_convert_type(x, jnp.int32)
    e = lax.shift_right_logical(bits, 23) - 127
    m = lax.bitcast_convert_type((bits & 0x007FFFFF) | 0x3F800000, jnp.float32)
    big = m > SQRT2
    m = jnp.where(big, m * 0.5, m)
    ef = e.astype(jnp.float32) + jnp.where(big, 1.0, 0.0)
    r = (m - 1.0) / (m + 1.0)
    r2 = r * r
    p = r * (2.0 + r2 * (2.0 / 3.0 + r2 * (2.0 / 5.0 + r2 * (2.0 / 7.0))))
    return ef * LN2 + p


def _glove_body(tidx, cidx, co, temb, cemb, tb, cb, out,
                ti_v, ci_v, co_v, bt_v, bc_v,
                trows_a, crows_a, trows_b, crows_b, stage,
                sem_idx, sem_bias, sem_a, sem_b):
    wid = lax.axis_index("c") * NUM_SUBCORES + lax.axis_index("s")
    base = wid * PAIRS_PER_WORKER
    tbufs = [trows_a, trows_b]
    cbufs = [crows_a, crows_b]
    sems = [sem_a, sem_b]
    lane_iota = lax.iota(jnp.int32, LANES)

    idx_cps = [
        pltpu.async_copy(co.at[pl.ds(base, PAIRS_PER_WORKER)], co_v, sem_idx),
        pltpu.async_copy(tidx.at[pl.ds(base, PAIRS_PER_WORKER)], ti_v, sem_idx),
        pltpu.async_copy(cidx.at[pl.ds(base, PAIRS_PER_WORKER)], ci_v, sem_idx),
    ]
    for cp in idx_cps:
        cp.wait()

    def fire(j):
        b = j % 2
        sl = pl.ds(j * CHUNK, CHUNK)
        return (pltpu.async_copy(temb.at[ti_v.at[sl]], tbufs[b], sems[b]),
                pltpu.async_copy(cemb.at[ci_v.at[sl]], cbufs[b], sems[b]))

    inflight = fire(0)
    bias_cps = []
    for j in range(NUM_CHUNKS):
        sl = pl.ds(j * CHUNK, CHUNK)
        bias_cps.append(pltpu.async_copy(tb.at[ti_v.at[sl]], bt_v.at[j], sem_bias))
        bias_cps.append(pltpu.async_copy(cb.at[ci_v.at[sl]], bc_v.at[j], sem_bias))
    for cp in bias_cps:
        cp.wait()

    acc = jnp.zeros((LANES,), jnp.float32)
    for j in range(NUM_CHUNKS):
        t_cp, c_cp = inflight
        if j + 1 < NUM_CHUNKS:
            next_inflight = fire(j + 1)
        t_cp.wait()
        c_cp.wait()
        if j + 1 < NUM_CHUNKS:
            inflight = next_inflight
        trows = tbufs[j % 2]
        crows = cbufs[j % 2]

        def group_body(g, acc):
            g16 = g * LANES
            row16 = g16 + lane_iota

            def dot_body(i, prod):
                k0 = i * 8
                for u in range(8):
                    col = (k0 + u + lane_iota) & (DIM - 1)
                    tv = plsc.load_gather(trows, [row16, col])
                    cv = plsc.load_gather(crows, [row16, col])
                    prod = prod + tv * cv
                return prod

            prod16 = lax.fori_loop(0, DIM // 8, dot_body,
                                   jnp.zeros((LANES,), jnp.float32))
            bt16 = bt_v[j, pl.ds(g16, LANES)]
            bc16 = bc_v[j, pl.ds(g16, LANES)]
            c16 = co_v[pl.ds(j * CHUNK + g16, LANES)]
            lnc = _softln(c16)
            w = jnp.minimum(jnp.exp(ALPHA * lnc - ALPHA * LN100), 1.0)
            err = prod16 + bt16 + bc16 - lnc
            return acc + w * err * err

        acc = lax.fori_loop(0, GROUPS, group_body, acc)

    stage[...] = acc
    pltpu.sync_copy(stage, out.at[wid])


def kernel(target_idx, context_idx, cooccurrences, target_embeddings,
           context_embeddings, target_biases, context_biases):
    mesh = plsc.VectorSubcoreMesh(core_axis_name="c", subcore_axis_name="s")
    partials = pl.kernel(
        _glove_body,
        out_type=jax.ShapeDtypeStruct((NUM_WORKERS, LANES), jnp.float32),
        mesh=mesh,
        compiler_params=pltpu.CompilerParams(needs_layout_passes=False),
        scratch_types=[
            pltpu.VMEM((PAIRS_PER_WORKER,), jnp.int32),
            pltpu.VMEM((PAIRS_PER_WORKER,), jnp.int32),
            pltpu.VMEM((PAIRS_PER_WORKER,), jnp.float32),
            pltpu.VMEM((NUM_CHUNKS, CHUNK), jnp.float32),
            pltpu.VMEM((NUM_CHUNKS, CHUNK), jnp.float32),
            pltpu.VMEM((CHUNK, DIM), jnp.float32),
            pltpu.VMEM((CHUNK, DIM), jnp.float32),
            pltpu.VMEM((CHUNK, DIM), jnp.float32),
            pltpu.VMEM((CHUNK, DIM), jnp.float32),
            pltpu.VMEM((LANES,), jnp.float32),
            pltpu.SemaphoreType.DMA,
            pltpu.SemaphoreType.DMA,
            pltpu.SemaphoreType.DMA,
            pltpu.SemaphoreType.DMA,
        ],
    )(target_idx, context_idx, cooccurrences, target_embeddings,
      context_embeddings, target_biases, context_biases)
    return jnp.sum(partials)

# --- scband reference (transcript-rebuilt; emitter-appended) ---
"""Pipeline reference for scband-glo-ve-40750649705174 (READ-ONLY COPY).

The authoritative reference and input builder live on the scoring server;
editing this copy changes nothing except your own understanding.
"""

import jax, jax.numpy as jnp
import numpy as np

VOCAB = 100000
DIM = 128
BATCH = 16384
SCALING_FACTOR = 0.75
COUNT_MAX = 100.0


def setup_inputs(seed: int = 0) -> dict:
    key = jax.random.key(seed)
    k1, k2, k3, k4, k5, k6, k7 = jax.random.split(key, 7)
    target_idx = jax.random.randint(k1, (BATCH,), 0, VOCAB, dtype=jnp.int32)
    context_idx = jax.random.randint(k2, (BATCH,), 0, VOCAB, dtype=jnp.int32)
    # co-occurrence counts, strictly positive so log() is safe
    cooccurrences = jax.random.uniform(k3, (BATCH,), minval=1.0, maxval=100.0, dtype=jnp.float32)
    target_embeddings = jax.random.normal(k4, (VOCAB, DIM), dtype=jnp.float32) * 0.01
    context_embeddings = jax.random.normal(k5, (VOCAB, DIM), dtype=jnp.float32) * 0.01
    target_biases = jax.random.normal(k6, (VOCAB,), dtype=jnp.float32) * 0.01
    context_biases = jax.random.normal(k7, (VOCAB,), dtype=jnp.float32) * 0.01
    return {
        "target_idx": target_idx,
        "context_idx": context_idx,
        "cooccurrences": cooccurrences,
        "target_embeddings": target_embeddings,
        "context_embeddings": context_embeddings,
        "target_biases": target_biases,
        "context_biases": context_biases,
    }


def reference(target_idx, context_idx, cooccurrences, target_embeddings, context_embeddings, target_biases, context_biases):
    # gather embedding rows and biases (SparseCore-friendly gathers)
    w_t = jnp.take(target_embeddings, target_idx, axis=0)       # [B, D]
    w_c = jnp.take(context_embeddings, context_idx, axis=0)     # [B, D]
    b_t = jnp.take(target_biases, target_idx, axis=0)           # [B]
    b_c = jnp.take(context_biases, context_idx, axis=0)         # [B]
    # GloVe weighting function f(X) = min((X / x_max)^alpha, 1)
    weighting = jnp.minimum(jnp.power(cooccurrences / COUNT_MAX, SCALING_FACTOR), 1.0)
    # squared error between embedding dot product + biases and log co-occurrence
    embedding_product = jnp.sum(w_t * w_c, axis=-1)             # [B]
    log_cooccurrences = jnp.log(cooccurrences)
    distance = jnp.square(embedding_product + b_t + b_c - log_cooccurrences)
    loss = jnp.sum(weighting * distance)
    return loss

if __name__ == "__main__":
    import jax
    _d = setup_inputs()
    print(jax.jit(kernel)(*tuple(_d.values())))

</pallas_src>

<mosaic_0001>
#map = affine_map<(d0, d1) -> (0)>
#map1 = affine_map<(d0, d1) -> (0, 0)>
module attributes {stable_mosaic.version = 14 : i64} {
  func.func @_glove_body(%arg0: i32, %arg1: i32, %arg2: memref<16384xi32, #tpu.memory_space<hbm>>, %arg3: memref<16384xi32, #tpu.memory_space<hbm>>, %arg4: memref<16384xf32, #tpu.memory_space<hbm>>, %arg5: memref<100000x128xf32, #tpu.memory_space<hbm>>, %arg6: memref<100000x128xf32, #tpu.memory_space<hbm>>, %arg7: memref<100000xf32, #tpu.memory_space<hbm>>, %arg8: memref<100000xf32, #tpu.memory_space<hbm>>, %arg9: memref<32x16xf32, #tpu.memory_space<hbm>>, %arg10: memref<512xi32, #tpu.memory_space<vmem>>, %arg11: memref<512xi32, #tpu.memory_space<vmem>>, %arg12: memref<512xf32, #tpu.memory_space<vmem>>, %arg13: memref<4x128xf32, #tpu.memory_space<vmem>>, %arg14: memref<4x128xf32, #tpu.memory_space<vmem>>, %arg15: memref<128x128xf32, #tpu.memory_space<vmem>>, %arg16: memref<128x128xf32, #tpu.memory_space<vmem>>, %arg17: memref<128x128xf32, #tpu.memory_space<vmem>>, %arg18: memref<128x128xf32, #tpu.memory_space<vmem>>, %arg19: memref<16xf32, #tpu.memory_space<vmem>>, %arg20: memref<!tpu.dma_semaphore, #tpu.memory_space<semaphore_mem>>, %arg21: memref<!tpu.dma_semaphore, #tpu.memory_space<semaphore_mem>>, %arg22: memref<!tpu.dma_semaphore, #tpu.memory_space<semaphore_mem>>, %arg23: memref<!tpu.dma_semaphore, #tpu.memory_space<semaphore_mem>>) attributes {dimension_semantics = [#tpu.dimension_semantics<core_parallel>, #tpu.dimension_semantics<subcore_parallel>], iteration_bounds = array<i64: 2, 16>, scalar_prefetch = 0 : i64, scratch_operands = 14 : i64, tpu.core_type = #tpu.core_type<sc_vector_subcore>, window_params = [{transform_indices = #map}, {transform_indices = #map}, {transform_indices = #map}, {transform_indices = #map1}, {transform_indices = #map1}, {transform_indices = #map}, {transform_indices = #map}, {transform_indices = #map1}]} {
    %mul3A = arith.constant 16 : i32
    %mul3A_0 = arith.muli %arg0, %mul3A : i32
    %add3A = arith.addi %mul3A_0, %arg1 : i32
    %mul3A_1 = arith.constant 512 : i32
    %mul3A_2 = arith.muli %add3A, %mul3A_1 : i32
    %iota3A = tpu.iota {dimensions = array<i32: 0>} : vector<16xi32>
    %dma_start3A = tpu.memref_slice %arg4[%mul3A_2] : memref<16384xf32, #tpu.memory_space<hbm>> -> memref<512xf32, #tpu.memory_space<hbm>>
    %dma_start3A_3 = tpu.memref_slice %arg4[%mul3A_2] : memref<16384xf32, #tpu.memory_space<hbm>> -> memref<512xf32, #tpu.memory_space<hbm>>
    tpu.enqueue_dma source(%dma_start3A_3 : memref<512xf32, #tpu.memory_space<hbm>>) target(%arg12 : memref<512xf32, #tpu.memory_space<vmem>>) target_semaphore(%arg20 : memref<!tpu.dma_semaphore, #tpu.memory_space<semaphore_mem>>)
    %dma_start3A_4 = tpu.memref_slice %arg2[%mul3A_2] : memref<16384xi32, #tpu.memory_space<hbm>> -> memref<512xi32, #tpu.memory_space<hbm>>
    %dma_start3A_5 = tpu.memref_slice %arg2[%mul3A_2] : memref<16384xi32, #tpu.memory_space<hbm>> -> memref<512xi32, #tpu.memory_space<hbm>>
    tpu.enqueue_dma source(%dma_start3A_5 : memref<512xi32, #tpu.memory_space<hbm>>) target(%arg10 : memref<512xi32, #tpu.memory_space<vmem>>) target_semaphore(%arg20 : memref<!tpu.dma_semaphore, #tpu.memory_space<semaphore_mem>>)
    %dma_start3A_6 = tpu.memref_slice %arg3[%mul3A_2] : memref<16384xi32, #tpu.memory_space<hbm>> -> memref<512xi32, #tpu.memory_space<hbm>>
    %dma_start3A_7 = tpu.memref_slice %arg3[%mul3A_2] : memref<16384xi32, #tpu.memory_space<hbm>> -> memref<512xi32, #tpu.memory_space<hbm>>
    tpu.enqueue_dma source(%dma_start3A_7 : memref<512xi32, #tpu.memory_space<hbm>>) target(%arg11 : memref<512xi32, #tpu.memory_space<vmem>>) target_semaphore(%arg20 : memref<!tpu.dma_semaphore, #tpu.memory_space<semaphore_mem>>)
    %dma_wait3A = tpu.memref_slice %arg4[%mul3A_2] : memref<16384xf32, #tpu.memory_space<hbm>> -> memref<512xf32, #tpu.memory_space<hbm>>
    %dma_wait3A_8 = tpu.memref_slice %arg4[%mul3A_2] : memref<16384xf32, #tpu.memory_space<hbm>> -> memref<512xf32, #tpu.memory_space<hbm>>
    tpu.wait_dma2 semaphore(%arg20 : memref<!tpu.dma_semaphore, #tpu.memory_space<semaphore_mem>>) src(%dma_wait3A_8 : memref<512xf32, #tpu.memory_space<hbm>>) dst(%arg12 : memref<512xf32, #tpu.memory_space<vmem>>)
    %dma_wait3A_9 = tpu.memref_slice %arg2[%mul3A_2] : memref<16384xi32, #tpu.memory_space<hbm>> -> memref<512xi32, #tpu.memory_space<hbm>>
    %dma_wait3A_10 = tpu.memref_slice %arg2[%mul3A_2] : memref<16384xi32, #tpu.memory_space<hbm>> -> memref<512xi32, #tpu.memory_space<hbm>>
    tpu.wait_dma2 semaphore(%arg20 : memref<!tpu.dma_semaphore, #tpu.memory_space<semaphore_mem>>) src(%dma_wait3A_10 : memref<512xi32, #tpu.memory_space<hbm>>) dst(%arg10 : memref<512xi32, #tpu.memory_space<vmem>>)
    %dma_wait3A_11 = tpu.memref_slice %arg3[%mul3A_2] : memref<16384xi32, #tpu.memory_space<hbm>> -> memref<512xi32, #tpu.memory_space<hbm>>
    %dma_wait3A_12 = tpu.memref_slice %arg3[%mul3A_2] : memref<16384xi32, #tpu.memory_space<hbm>> -> memref<512xi32, #tpu.memory_space<hbm>>
    tpu.wait_dma2 semaphore(%arg20 : memref<!tpu.dma_semaphore, #tpu.memory_space<semaphore_mem>>) src(%dma_wait3A_12 : memref<512xi32, #tpu.memory_space<hbm>>) dst(%arg11 : memref<512xi32, #tpu.memory_space<vmem>>)
    %dma_start3A_13 = arith.constant 0 : i32
    %dma_start3A_14 = tpu.memref_slice %arg10[%dma_start3A_13] : memref<512xi32, #tpu.memory_space<vmem>> -> memref<128xi32, #tpu.memory_space<vmem>>
    %dma_start3A_15 = arith.constant 0 : i32
    %dma_start3A_16 = arith.constant 0 : i32
    %dma_start3A_17 = tpu.memref_slice %arg5[%dma_start3A_15, %dma_start3A_16] : memref<100000x128xf32, #tpu.memory_space<hbm>> -> memref<100000x128xf32, #tpu.memory_space<hbm>>
    tpu.enqueue_indirect_dma source(%dma_start3A_17 : memref<100000x128xf32, #tpu.memory_space<hbm>>) target(%arg15 : memref<128x128xf32, #tpu.memory_space<vmem>>) offsets(%dma_start3A_14 : memref<128xi32, #tpu.memory_space<vmem>>) semaphore(%arg22 : memref<!tpu.dma_semaphore, #tpu.memory_space<semaphore_mem>>)
    %dma_start3A_18 = arith.constant 0 : i32
    %dma_start3A_19 = tpu.memref_slice %arg11[%dma_start3A_18] : memref<512xi32, #tpu.memory_space<vmem>> -> memref<128xi32, #tpu.memory_space<vmem>>
    %dma_start3A_20 = arith.constant 0 : i32
    %dma_start3A_21 = arith.constant 0 : i32
    %dma_start3A_22 = tpu.memref_slice %arg6[%dma_start3A_20, %dma_start3A_21] : memref<100000x128xf32, #tpu.memory_space<hbm>> -> memref<100000x128xf32, #tpu.memory_space<hbm>>
    tpu.enqueue_indirect_dma source(%dma_start3A_22 : memref<100000x128xf32, #tpu.memory_space<hbm>>) target(%arg16 : memref<128x128xf32, #tpu.memory_space<vmem>>) offsets(%dma_start3A_19 : memref<128xi32, #tpu.memory_space<vmem>>) semaphore(%arg22 : memref<!tpu.dma_semaphore, #tpu.memory_space<semaphore_mem>>)
    %dma_start3A_23 = arith.constant 0 : i32
    %dma_start3A_24 = arith.constant 0 : i32
    %dma_start3A_25 = tpu.memref_slice %arg13[%dma_start3A_23, %dma_start3A_24] : memref<4x128xf32, #tpu.memory_space<vmem>> -> memref<1x128xf32, #tpu.memory_space<vmem>>
    %dma_start3A_26 = tpu.memref_squeeze %dma_start3A_25 : memref<1x128xf32, #tpu.memory_space<vmem>> -> memref<128xf32, #tpu.memory_space<vmem>>
    %dma_start3A_27 = arith.constant 0 : i32
    %dma_start3A_28 = tpu.memref_slice %arg10[%dma_start3A_27] : memref<512xi32, #tpu.memory_space<vmem>> -> memref<128xi32, #tpu.memory_space<vmem>>
    %dma_start3A_29 = arith.constant 0 : i32
    %dma_start3A_30 = tpu.memref_slice %arg7[%dma_start3A_29] : memref<100000xf32, #tpu.memory_space<hbm>> -> memref<100000xf32, #tpu.memory_space<hbm>>
    tpu.enqueue_indirect_dma source(%dma_start3A_30 : memref<100000xf32, #tpu.memory_space<hbm>>) target(%dma_start3A_26 : memref<128xf32, #tpu.memory_space<vmem>>) offsets(%dma_start3A_28 : memref<128xi32, #tpu.memory_space<vmem>>) semaphore(%arg21 : memref<!tpu.dma_semaphore, #tpu.memory_space<semaphore_mem>>)
    %dma_start3A_31 = arith.constant 0 : i32
    %dma_start3A_32 = arith.constant 0 : i32
    %dma_start3A_33 = tpu.memref_slice %arg14[%dma_start3A_31, %dma_start3A_32] : memref<4x128xf32, #tpu.memory_space<vmem>> -> memref<1x128xf32, #tpu.memory_space<vmem>>
    %dma_start3A_34 = tpu.memref_squeeze %dma_start3A_33 : memref<1x128xf32, #tpu.memory_space<vmem>> -> memref<128xf32, #tpu.memory_space<vmem>>
    %dma_start3A_35 = arith.constant 0 : i32
    %dma_start3A_36 = tpu.memref_slice %arg11[%dma_start3A_35] : memref<512xi32, #tpu.memory_space<vmem>> -> memref<128xi32, #tpu.memory_space<vmem>>
    %dma_start3A_37 = arith.constant 0 : i32
    %dma_start3A_38 = tpu.memref_slice %arg8[%dma_start3A_37] : memref<100000xf32, #tpu.memory_space<hbm>> -> memref<100000xf32, #tpu.memory_space<hbm>>
    tpu.enqueue_indirect_dma source(%dma_start3A_38 : memref<100000xf32, #tpu.memory_space<hbm>>) target(%dma_start3A_34 : memref<128xf32, #tpu.memory_space<vmem>>) offsets(%dma_start3A_36 : memref<128xi32, #tpu.memory_space<vmem>>) semaphore(%arg21 : memref<!tpu.dma_semaphore, #tpu.memory_space<semaphore_mem>>)
    %dma_start3A_39 = arith.constant 1 : i32
    %dma_start3A_40 = arith.constant 0 : i32
    %dma_start3A_41 = tpu.memref_slice %arg13[%dma_start3A_39, %dma_start3A_40] : memref<4x128xf32, #tpu.memory_space<vmem>> -> memref<1x128xf32, #tpu.memory_space<vmem>>
    %dma_start3A_42 = tpu.memref_squeeze %dma_start3A_41 : memref<1x128xf32, #tpu.memory_space<vmem>> -> memref<128xf32, #tpu.memory_space<vmem>>
    %dma_start3A_43 = arith.constant 128 : i32
    %dma_start3A_44 = tpu.memref_slice %arg10[%dma_start3A_43] : memref<512xi32, #tpu.memory_space<vmem>> -> memref<128xi32, #tpu.memory_space<vmem>>
    %dma_start3A_45 = arith.constant 0 : i32
    %dma_start3A_46 = tpu.memref_slice %arg7[%dma_start3A_45] : memref<100000xf32, #tpu.memory_space<hbm>> -> memref<100000xf32, #tpu.memory_space<hbm>>
    tpu.enqueue_indirect_dma source(%dma_start3A_46 : memref<100000xf32, #tpu.memory_space<hbm>>) target(%dma_start3A_42 : memref<128xf32, #tpu.memory_space<vmem>>) offsets(%dma_start3A_44 : memref<128xi32, #tpu.memory_space<vmem>>) semaphore(%arg21 : memref<!tpu.dma_semaphore, #tpu.memory_space<semaphore_mem>>)
    %dma_start3A_47 = arith.constant 1 : i32
    %dma_start3A_48 = arith.constant 0 : i32
    %dma_start3A_49 = tpu.memref_slice %arg14[%dma_start3A_47, %dma_start3A_48] : memref<4x128xf32, #tpu.memory_space<vmem>> -> memref<1x128xf32, #tpu.memory_space<vmem>>
    %dma_start3A_50 = tpu.memref_squeeze %dma_start3A_49 : memref<1x128xf32, #tpu.memory_space<vmem>> -> memref<128xf32, #tpu.memory_space<vmem>>
    %dma_start3A_51 = arith.constant 128 : i32
    %dma_start3A_52 = tpu.memref_slice %arg11[%dma_start3A_51] : memref<512xi32, #tpu.memory_space<vmem>> -> memref<128xi32, #tpu.memory_space<vmem>>
    %dma_start3A_53 = arith.constant 0 : i32
    %dma_start3A_54 = tpu.memref_slice %arg8[%dma_start3A_53] : memref<100000xf32, #tpu.memory_space<hbm>> -> memref<100000xf32, #tpu.memory_space<hbm>>
    tpu.enqueue_indirect_dma source(%dma_start3A_54 : memref<100000xf32, #tpu.memory_space<hbm>>) target(%dma_start3A_50 : memref<128xf32, #tpu.memory_space<vmem>>) offsets(%dma_start3A_52 : memref<128xi32, #tpu.memory_space<vmem>>) semaphore(%arg21 : memref<!tpu.dma_semaphore, #tpu.memory_space<semaphore_mem>>)
    %dma_start3A_55 = arith.constant 2 : i32
    %dma_start3A_56 = arith.constant 0 : i32
    %dma_start3A_57 = tpu.memref_slice %arg13[%dma_start3A_55, %dma_start3A_56] : memref<4x128xf32, #tpu.memory_space<vmem>> -> memref<1x128xf32, #tpu.memory_space<vmem>>
    %dma_start3A_58 = tpu.memref_squeeze %dma_start3A_57 : memref<1x128xf32, #tpu.memory_space<vmem>> -> memref<128xf32, #tpu.memory_space<vmem>>
    %dma_start3A_59 = arith.constant 256 : i32
    %dma_start3A_60 = tpu.memref_slice %arg10[%dma_start3A_59] : memref<512xi32, #tpu.memory_space<vmem>> -> memref<128xi32, #tpu.memory_space<vmem>>
    %dma_start3A_61 = arith.constant 0 : i32
    %dma_start3A_62 = tpu.memref_slice %arg7[%dma_start3A_61] : memref<100000xf32, #tpu.memory_space<hbm>> -> memref<100000xf32, #tpu.memory_space<hbm>>
    tpu.enqueue_indirect_dma source(%dma_start3A_62 : memref<100000xf32, #tpu.memory_space<hbm>>) target(%dma_start3A_58 : memref<128xf32, #tpu.memory_space<vmem>>) offsets(%dma_start3A_60 : memref<128xi32, #tpu.memory_space<vmem>>) semaphore(%arg21 : memref<!tpu.dma_semaphore, #tpu.memory_space<semaphore_mem>>)
    %dma_start3A_63 = arith.constant 2 : i32
    %dma_start3A_64 = arith.constant 0 : i32
    %dma_start3A_65 = tpu.memref_slice %arg14[%dma_start3A_63, %dma_start3A_64] : memref<4x128xf32, #tpu.memory_space<vmem>> -> memref<1x128xf32, #tpu.memory_space<vmem>>
    %dma_start3A_66 = tpu.memref_squeeze %dma_start3A_65 : memref<1x128xf32, #tpu.memory_space<vmem>> -> memref<128xf32, #tpu.memory_space<vmem>>
    %dma_start3A_67 = arith.constant 256 : i32
    %dma_start3A_68 = tpu.memref_slice %arg11[%dma_start3A_67] : memref<512xi32, #tpu.memory_space<vmem>> -> memref<128xi32, #tpu.memory_space<vmem>>
    %dma_start3A_69 = arith.constant 0 : i32
    %dma_start3A_70 = tpu.memref_slice %arg8[%dma_start3A_69] : memref<100000xf32, #tpu.memory_space<hbm>> -> memref<100000xf32, #tpu.memory_space<hbm>>
    tpu.enqueue_indirect_dma source(%dma_start3A_70 : memref<100000xf32, #tpu.memory_space<hbm>>) target(%dma_start3A_66 : memref<128xf32, #tpu.memory_space<vmem>>) offsets(%dma_start3A_68 : memref<128xi32, #tpu.memory_space<vmem>>) semaphore(%arg21 : memref<!tpu.dma_semaphore, #tpu.memory_space<semaphore_mem>>)
    %dma_start3A_71 = arith.constant 3 : i32
    %dma_start3A_72 = arith.constant 0 : i32
    %dma_start3A_73 = tpu.memref_slice %arg13[%dma_start3A_71, %dma_start3A_72] : memref<4x128xf32, #tpu.memory_space<vmem>> -> memref<1x128xf32, #tpu.memory_space<vmem>>
    %dma_start3A_74 = tpu.memref_squeeze %dma_start3A_73 : memref<1x128xf32, #tpu.memory_space<vmem>> -> memref<128xf32, #tpu.memory_space<vmem>>
    %dma_start3A_75 = arith.constant 384 : i32
    %dma_start3A_76 = tpu.memref_slice %arg10[%dma_start3A_75] : memref<512xi32, #tpu.memory_space<vmem>> -> memref<128xi32, #tpu.memory_space<vmem>>
    %dma_start3A_77 = arith.constant 0 : i32
    %dma_start3A_78 = tpu.memref_slice %arg7[%dma_start3A_77] : memref<100000xf32, #tpu.memory_space<hbm>> -> memref<100000xf32, #tpu.memory_space<hbm>>
    tpu.enqueue_indirect_dma source(%dma_start3A_78 : memref<100000xf32, #tpu.memory_space<hbm>>) target(%dma_start3A_74 : memref<128xf32, #tpu.memory_space<vmem>>) offsets(%dma_start3A_76 : memref<128xi32, #tpu.memory_space<vmem>>) semaphore(%arg21 : memref<!tpu.dma_semaphore, #tpu.memory_space<semaphore_mem>>)
    %dma_start3A_79 = arith.constant 3 : i32
    %dma_start3A_80 = arith.constant 0 : i32
    %dma_start3A_81 = tpu.memref_slice %arg14[%dma_start3A_79, %dma_start3A_80] : memref<4x128xf32, #tpu.memory_space<vmem>> -> memref<1x128xf32, #tpu.memory_space<vmem>>
    %dma_start3A_82 = tpu.memref_squeeze %dma_start3A_81 : memref<1x128xf32, #tpu.memory_space<vmem>> -> memref<128xf32, #tpu.memory_space<vmem>>
    %dma_start3A_83 = arith.constant 384 : i32
    %dma_start3A_84 = tpu.memref_slice %arg11[%dma_start3A_83] : memref<512xi32, #tpu.memory_space<vmem>> -> memref<128xi32, #tpu.memory_space<vmem>>
    %dma_start3A_85 = arith.constant 0 : i32
    %dma_start3A_86 = tpu.memref_slice %arg8[%dma_start3A_85] : memref<100000xf32, #tpu.memory_space<hbm>> -> memref<100000xf32, #tpu.memory_space<hbm>>
    tpu.enqueue_indirect_dma source(%dma_start3A_86 : memref<100000xf32, #tpu.memory_space<hbm>>) target(%dma_start3A_82 : memref<128xf32, #tpu.memory_space<vmem>>) offsets(%dma_start3A_84 : memref<128xi32, #tpu.memory_space<vmem>>) semaphore(%arg21 : memref<!tpu.dma_semaphore, #tpu.memory_space<semaphore_mem>>)
    %dma_wait3A_87 = arith.constant 0 : i32
    %dma_wait3A_88 = arith.constant 0 : i32
    %dma_wait3A_89 = tpu.memref_slice %arg13[%dma_wait3A_87, %dma_wait3A_88] : memref<4x128xf32, #tpu.memory_space<vmem>> -> memref<1x128xf32, #tpu.memory_space<vmem>>
    %dma_wait3A_90 = tpu.memref_squeeze %dma_wait3A_89 : memref<1x128xf32, #tpu.memory_space<vmem>> -> memref<128xf32, #tpu.memory_space<vmem>>
    %dma_wait3A_91 = arith.constant 0 : i32
    %dma_wait3A_92 = tpu.memref_slice %arg10[%dma_wait3A_91] : memref<512xi32, #tpu.memory_space<vmem>> -> memref<128xi32, #tpu.memory_space<vmem>>
    %dma_wait3A_93 = arith.constant 0 : i32
    %dma_wait3A_94 = tpu.memref_slice %arg7[%dma_wait3A_93] : memref<100000xf32, #tpu.memory_space<hbm>> -> memref<100000xf32, #tpu.memory_space<hbm>>
    tpu.wait_indirect_dma semaphore(%arg21 : memref<!tpu.dma_semaphore, #tpu.memory_space<semaphore_mem>>) src(%dma_wait3A_94 : memref<100000xf32, #tpu.memory_space<hbm>>) dst(%dma_wait3A_90 : memref<128xf32, #tpu.memory_space<vmem>>)
    %dma_wait3A_95 = arith.constant 0 : i32
    %dma_wait3A_96 = arith.constant 0 : i32
    %dma_wait3A_97 = tpu.memref_slice %arg14[%dma_wait3A_95, %dma_wait3A_96] : memref<4x128xf32, #tpu.memory_space<vmem>> -> memref<1x128xf32, #tpu.memory_space<vmem>>
    %dma_wait3A_98 = tpu.memref_squeeze %dma_wait3A_97 : memref<1x128xf32, #tpu.memory_space<vmem>> -> memref<128xf32, #tpu.memory_space<vmem>>
    %dma_wait3A_99 = arith.constant 0 : i32
    %dma_wait3A_100 = tpu.memref_slice %arg11[%dma_wait3A_99] : memref<512xi32, #tpu.memory_space<vmem>> -> memref<128xi32, #tpu.memory_space<vmem>>
    %dma_wait3A_101 = arith.constant 0 : i32
    %dma_wait3A_102 = tpu.memref_slice %arg8[%dma_wait3A_101] : memref<100000xf32, #tpu.memory_space<hbm>> -> memref<100000xf32, #tpu.memory_space<hbm>>
    tpu.wait_indirect_dma semaphore(%arg21 : memref<!tpu.dma_semaphore, #tpu.memory_space<semaphore_mem>>) src(%dma_wait3A_102 : memref<100000xf32, #tpu.memory_space<hbm>>) dst(%dma_wait3A_98 : memref<128xf32, #tpu.memory_space<vmem>>)
    %dma_wait3A_103 = arith.constant 1 : i32
    %dma_wait3A_104 = arith.constant 0 : i32
    %dma_wait3A_105 = tpu.memref_slice %arg13[%dma_wait3A_103, %dma_wait3A_104] : memref<4x128xf32, #tpu.memory_space<vmem>> -> memref<1x128xf32, #tpu.memory_space<vmem>>
    %dma_wait3A_106 = tpu.memref_squeeze %dma_wait3A_105 : memref<1x128xf32, #tpu.memory_space<vmem>> -> memref<128xf32, #tpu.memory_space<vmem>>
    %dma_wait3A_107 = arith.constant 128 : i32
    %dma_wait3A_108 = tpu.memref_slice %arg10[%dma_wait3A_107] : memref<512xi32, #tpu.memory_space<vmem>> -> memref<128xi32, #tpu.memory_space<vmem>>
    %dma_wait3A_109 = arith.constant 0 : i32
    %dma_wait3A_110 = tpu.memref_slice %arg7[%dma_wait3A_109] : memref<100000xf32, #tpu.memory_space<hbm>> -> memref<100000xf32, #tpu.memory_space<hbm>>
    tpu.wait_indirect_dma semaphore(%arg21 : memref<!tpu.dma_semaphore, #tpu.memory_space<semaphore_mem>>) src(%dma_wait3A_110 : memref<100000xf32, #tpu.memory_space<hbm>>) dst(%dma_wait3A_106 : memref<128xf32, #tpu.memory_space<vmem>>)
    %dma_wait3A_111 = arith.constant 1 : i32
    %dma_wait3A_112 = arith.constant 0 : i32
    %dma_wait3A_113 = tpu.memref_slice %arg14[%dma_wait3A_111, %dma_wait3A_112] : memref<4x128xf32, #tpu.memory_space<vmem>> -> memref<1x128xf32, #tpu.memory_space<vmem>>
    %dma_wait3A_114 = tpu.memref_squeeze %dma_wait3A_113 : memref<1x128xf32, #tpu.memory_space<vmem>> -> memref<128xf32, #tpu.memory_space<vmem>>
    %dma_wait3A_115 = arith.constant 128 : i32
    %dma_wait3A_116 = tpu.memref_slice %arg11[%dma_wait3A_115] : memref<512xi32, #tpu.memory_space<vmem>> -> memref<128xi32, #tpu.memory_space<vmem>>
    %dma_wait3A_117 = arith.constant 0 : i32
    %dma_wait3A_118 = tpu.memref_slice %arg8[%dma_wait3A_117] : memref<100000xf32, #tpu.memory_space<hbm>> -> memref<100000xf32, #tpu.memory_space<hbm>>
    tpu.wait_indirect_dma semaphore(%arg21 : memref<!tpu.dma_semaphore, #tpu.memory_space<semaphore_mem>>) src(%dma_wait3A_118 : memref<100000xf32, #tpu.memory_space<hbm>>) dst(%dma_wait3A_114 : memref<128xf32, #tpu.memory_space<vmem>>)
    %dma_wait3A_119 = arith.constant 2 : i32
    %dma_wait3A_120 = arith.constant 0 : i32
    %dma_wait3A_121 = tpu.memref_slice %arg13[%dma_wait3A_119, %dma_wait3A_120] : memref<4x128xf32, #tpu.memory_space<vmem>> -> memref<1x128xf32, #tpu.memory_space<vmem>>
    %dma_wait3A_122 = tpu.memref_squeeze %dma_wait3A_121 : memref<1x128xf32, #tpu.memory_space<vmem>> -> memref<128xf32, #tpu.memory_space<vmem>>
    %dma_wait3A_123 = arith.constant 256 : i32
    %dma_wait3A_124 = tpu.memref_slice %arg10[%dma_wait3A_123] : memref<512xi32, #tpu.memory_space<vmem>> -> memref<128xi32, #tpu.memory_space<vmem>>
    %dma_wait3A_125 = arith.constant 0 : i32
    %dma_wait3A_126 = tpu.memref_slice %arg7[%dma_wait3A_125] : memref<100000xf32, #tpu.memory_space<hbm>> -> memref<100000xf32, #tpu.memory_space<hbm>>
    tpu.wait_indirect_dma semaphore(%arg21 : memref<!tpu.dma_semaphore, #tpu.memory_space<semaphore_mem>>) src(%dma_wait3A_126 : memref<100000xf32, #tpu.memory_space<hbm>>) dst(%dma_wait3A_122 : memref<128xf32, #tpu.memory_space<vmem>>)
    %dma_wait3A_127 = arith.constant 2 : i32
    %dma_wait3A_128 = arith.constant 0 : i32
    %dma_wait3A_129 = tpu.memref_slice %arg14[%dma_wait3A_127, %dma_wait3A_128] : memref<4x128xf32, #tpu.memory_space<vmem>> -> memref<1x128xf32, #tpu.memory_space<vmem>>
    %dma_wait3A_130 = tpu.memref_squeeze %dma_wait3A_129 : memref<1x128xf32, #tpu.memory_space<vmem>> -> memref<128xf32, #tpu.memory_space<vmem>>
    %dma_wait3A_131 = arith.constant 256 : i32
    %dma_wait3A_132 = tpu.memref_slice %arg11[%dma_wait3A_131] : memref<512xi32, #tpu.memory_space<vmem>> -> memref<128xi32, #tpu.memory_space<vmem>>
    %dma_wait3A_133 = arith.constant 0 : i32
    %dma_wait3A_134 = tpu.memref_slice %arg8[%dma_wait3A_133] : memref<100000xf32, #tpu.memory_space<hbm>> -> memref<100000xf32, #tpu.memory_space<hbm>>
    tpu.wait_indirect_dma semaphore(%arg21 : memref<!tpu.dma_semaphore, #tpu.memory_space<semaphore_mem>>) src(%dma_wait3A_134 : memref<100000xf32, #tpu.memory_space<hbm>>) dst(%dma_wait3A_130 : memref<128xf32, #tpu.memory_space<vmem>>)
    %dma_wait3A_135 = arith.constant 3 : i32
    %dma_wait3A_136 = arith.constant 0 : i32
    %dma_wait3A_137 = tpu.memref_slice %arg13[%dma_wait3A_135, %dma_wait3A_136] : memref<4x128xf32, #tpu.memory_space<vmem>> -> memref<1x128xf32, #tpu.memory_space<vmem>>
    %dma_wait3A_138 = tpu.memref_squeeze %dma_wait3A_137 : memref<1x128xf32, #tpu.memory_space<vmem>> -> memref<128xf32, #tpu.memory_space<vmem>>
    %dma_wait3A_139 = arith.constant 384 : i32
    %dma_wait3A_140 = tpu.memref_slice %arg10[%dma_wait3A_139] : memref<512xi32, #tpu.memory_space<vmem>> -> memref<128xi32, #tpu.memory_space<vmem>>
    %dma_wait3A_141 = arith.constant 0 : i32
    %dma_wait3A_142 = tpu.memref_slice %arg7[%dma_wait3A_141] : memref<100000xf32, #tpu.memory_space<hbm>> -> memref<100000xf32, #tpu.memory_space<hbm>>
    tpu.wait_indirect_dma semaphore(%arg21 : memref<!tpu.dma_semaphore, #tpu.memory_space<semaphore_mem>>) src(%dma_wait3A_142 : memref<100000xf32, #tpu.memory_space<hbm>>) dst(%dma_wait3A_138 : memref<128xf32, #tpu.memory_space<vmem>>)
    %dma_wait3A_143 = arith.constant 3 : i32
    %dma_wait3A_144 = arith.constant 0 : i32
    %dma_wait3A_145 = tpu.memref_slice %arg14[%dma_wait3A_143, %dma_wait3A_144] : memref<4x128xf32, #tpu.memory_space<vmem>> -> memref<1x128xf32, #tpu.memory_space<vmem>>
    %dma_wait3A_146 = tpu.memref_squeeze %dma_wait3A_145 : memref<1x128xf32, #tpu.memory_space<vmem>> -> memref<128xf32, #tpu.memory_space<vmem>>
    %dma_wait3A_147 = arith.constant 384 : i32
    %dma_wait3A_148 = tpu.memref_slice %arg11[%dma_wait3A_147] : memref<512xi32, #tpu.memory_space<vmem>> -> memref<128xi32, #tpu.memory_space<vmem>>
    %dma_wait3A_149 = arith.constant 0 : i32
    %dma_wait3A_150 = tpu.memref_slice %arg8[%dma_wait3A_149] : memref<100000xf32, #tpu.memory_space<hbm>> -> memref<100000xf32, #tpu.memory_space<hbm>>
    tpu.wait_indirect_dma semaphore(%arg21 : memref<!tpu.dma_semaphore, #tpu.memory_space<semaphore_mem>>) src(%dma_wait3A_150 : memref<100000xf32, #tpu.memory_space<hbm>>) dst(%dma_wait3A_146 : memref<128xf32, #tpu.memory_space<vmem>>)
    %broadcast_in_dim3A = arith.constant 0.000000e+00 : f32
    %broadcast_in_dim3A_151 = vector.broadcast %broadcast_in_dim3A : f32 to vector<16xf32>
    %dma_start3A_152 = arith.constant 128 : i32
    %dma_start3A_153 = tpu.memref_slice %arg10[%dma_start3A_152] : memref<512xi32, #tpu.memory_space<vmem>> -> memref<128xi32, #tpu.memory_space<vmem>>
    %dma_start3A_154 = arith.constant 0 : i32
    %dma_start3A_155 = arith.constant 0 : i32
    %dma_start3A_156 = tpu.memref_slice %arg5[%dma_start3A_154, %dma_start3A_155] : memref<100000x128xf32, #tpu.memory_space<hbm>> -> memref<100000x128xf32, #tpu.memory_space<hbm>>
    tpu.enqueue_indirect_dma source(%dma_start3A_156 : memref<100000x128xf32, #tpu.memory_space<hbm>>) target(%arg17 : memref<128x128xf32, #tpu.memory_space<vmem>>) offsets(%dma_start3A_153 : memref<128xi32, #tpu.memory_space<vmem>>) semaphore(%arg23 : memref<!tpu.dma_semaphore, #tpu.memory_space<semaphore_mem>>)
    %dma_start3A_157 = arith.constant 128 : i32
    %dma_start3A_158 = tpu.memref_slice %arg11[%dma_start3A_157] : memref<512xi32, #tpu.memory_space<vmem>> -> memref<128xi32, #tpu.memory_space<vmem>>
    %dma_start3A_159 = arith.constant 0 : i32
    %dma_start3A_160 = arith.constant 0 : i32
    %dma_start3A_161 = tpu.memref_slice %arg6[%dma_start3A_159, %dma_start3A_160] : memref<100000x128xf32, #tpu.memory_space<hbm>> -> memref<100000x128xf32, #tpu.memory_space<hbm>>
    tpu.enqueue_indirect_dma source(%dma_start3A_161 : memref<100000x128xf32, #tpu.memory_space<hbm>>) target(%arg18 : memref<128x128xf32, #tpu.memory_space<vmem>>) offsets(%dma_start3A_158 : memref<128xi32, #tpu.memory_space<vmem>>) semaphore(%arg23 : memref<!tpu.dma_semaphore, #tpu.memory_space<semaphore_mem>>)
    %dma_wait3A_162 = arith.constant 0 : i32
    %dma_wait3A_163 = tpu.memref_slice %arg10[%dma_wait3A_162] : memref<512xi32, #tpu.memory_space<vmem>> -> memref<128xi32, #tpu.memory_space<vmem>>
    %dma_wait3A_164 = arith.constant 0 : i32
    %dma_wait3A_165 = arith.constant 0 : i32
    %dma_wait3A_166 = tpu.memref_slice %arg5[%dma_wait3A_164, %dma_wait3A_165] : memref<100000x128xf32, #tpu.memory_space<hbm>> -> memref<100000x128xf32, #tpu.memory_space<hbm>>
    tpu.wait_indirect_dma semaphore(%arg22 : memref<!tpu.dma_semaphore, #tpu.memory_space<semaphore_mem>>) src(%dma_wait3A_166 : memref<100000x128xf32, #tpu.memory_space<hbm>>) dst(%arg15 : memref<128x128xf32, #tpu.memory_space<vmem>>)
    %dma_wait3A_167 = arith.constant 0 : i32
    %dma_wait3A_168 = tpu.memref_slice %arg11[%dma_wait3A_167] : memref<512xi32, #tpu.memory_space<vmem>> -> memref<128xi32, #tpu.memory_space<vmem>>
    %dma_wait3A_169 = arith.constant 0 : i32
    %dma_wait3A_170 = arith.constant 0 : i32
    %dma_wait3A_171 = tpu.memref_slice %arg6[%dma_wait3A_169, %dma_wait3A_170] : memref<100000x128xf32, #tpu.memory_space<hbm>> -> memref<100000x128xf32, #tpu.memory_space<hbm>>
    tpu.wait_indirect_dma semaphore(%arg22 : memref<!tpu.dma_semaphore, #tpu.memory_space<semaphore_mem>>) src(%dma_wait3A_171 : memref<100000x128xf32, #tpu.memory_space<hbm>>) dst(%arg16 : memref<128x128xf32, #tpu.memory_space<vmem>>)
    %scan3A = arith.constant 0 : i32
    %scan3A_172 = arith.constant 8 : i32
    %scan3A_173 = arith.addi %scan3A, %scan3A_172 : i32
    %scan3A_174 = arith.constant 1 : i32
    %scan3A_175 = scf.for %scan3A_246 = %scan3A to %scan3A_173 step %scan3A_174 iter_args(%scan3A_247 = %broadcast_in_dim3A_151) -> (vector<16xf32>)  : i32 {
      %mul3A_248 = arith.constant 16 : i32
      %mul3A_249 = arith.muli %scan3A_246, %mul3A_248 : i32
      %add3A_250 = vector.broadcast %mul3A_249 : i32 to vector<16xi32>
      %add3A_251 = arith.addi %add3A_250, %iota3A : vector<16xi32>
      %broadcast_in_dim3A_252 = arith.constant 0.000000e+00 : f32
      %broadcast_in_dim3A_253 = vector.broadcast %broadcast_in_dim3A_252 : f32 to vector<16xf32>
      %scan3A_254 = arith.constant 0 : i32
      %scan3A_255 = arith.constant 16 : i32
      %scan3A_256 = arith.addi %scan3A_254, %scan3A_255 : i32
      %scan3A_257 = arith.constant 1 : i32
      %scan3A_258 = scf.for %scan3A_330 = %scan3A_254 to %scan3A_256 step %scan3A_257 iter_args(%scan3A_331 = %broadcast_in_dim3A_253) -> (vector<16xf32>)  : i32 {
        %mul3A_332 = arith.constant 8 : i32
        %mul3A_333 = arith.muli %scan3A_330, %mul3A_332 : i32
        %add3A_334 = arith.constant 0 : i32
        %add3A_335 = arith.addi %mul3A_333, %add3A_334 : i32
        %add3A_336 = vector.broadcast %add3A_335 : i32 to vector<16xi32>
        %add3A_337 = arith.addi %add3A_336, %iota3A : vector<16xi32>
        %and3A_338 = arith.constant 127 : i32
        %and3A_339 = vector.broadcast %and3A_338 : i32 to vector<16xi32>
        %and3A_340 = arith.andi %add3A_337, %and3A_339 : vector<16xi32>
        %gather3A = tpu.vector_load_idx %arg15[%add3A_251, %and3A_340] : memref<128x128xf32, #tpu.memory_space<vmem>>[vector<16xi32>, vector<16xi32>], vector<16xf32>,
        %gather3A_341 = tpu.vector_load_idx %arg16[%add3A_251, %and3A_340] : memref<128x128xf32, #tpu.memory_space<vmem>>[vector<16xi32>, vector<16xi32>], vector<16xf32>,
        %mul3A_342 = arith.mulf %gather3A, %gather3A_341 : vector<16xf32>
        %add3A_343 = arith.addf %scan3A_331, %mul3A_342 : vector<16xf32>
        %add3A_344 = arith.constant 1 : i32
        %add3A_345 = arith.addi %mul3A_333, %add3A_344 : i32
        %add3A_346 = vector.broadcast %add3A_345 : i32 to vector<16xi32>
        %add3A_347 = arith.addi %add3A_346, %iota3A : vector<16xi32>
        %and3A_348 = arith.constant 127 : i32
        %and3A_349 = vector.broadcast %and3A_348 : i32 to vector<16xi32>
        %and3A_350 = arith.andi %add3A_347, %and3A_349 : vector<16xi32>
        %gather3A_351 = tpu.vector_load_idx %arg15[%add3A_251, %and3A_350] : memref<128x128xf32, #tpu.memory_space<vmem>>[vector<16xi32>, vector<16xi32>], vector<16xf32>,
        %gather3A_352 = tpu.vector_load_idx %arg16[%add3A_251, %and3A_350] : memref<128x128xf32, #tpu.memory_space<vmem>>[vector<16xi32>, vector<16xi32>], vector<16xf32>,
        %mul3A_353 = arith.mulf %gather3A_351, %gather3A_352 : vector<16xf32>
        %add3A_354 = arith.addf %add3A_343, %mul3A_353 : vector<16xf32>
        %add3A_355 = arith.constant 2 : i32
        %add3A_356 = arith.addi %mul3A_333, %add3A_355 : i32
        %add3A_357 = vector.broadcast %add3A_356 : i32 to vector<16xi32>
        %add3A_358 = arith.addi %add3A_357, %iota3A : vector<16xi32>
        %and3A_359 = arith.constant 127 : i32
        %and3A_360 = vector.broadcast %and3A_359 : i32 to vector<16xi32>
        %and3A_361 = arith.andi %add3A_358, %and3A_360 : vector<16xi32>
        %gather3A_362 = tpu.vector_load_idx %arg15[%add3A_251, %and3A_361] : memref<128x128xf32, #tpu.memory_space<vmem>>[vector<16xi32>, vector<16xi32>], vector<16xf32>,
        %gather3A_363 = tpu.vector_load_idx %arg16[%add3A_251, %and3A_361] : memref<128x128xf32, #tpu.memory_space<vmem>>[vector<16xi32>, vector<16xi32>], vector<16xf32>,
        %mul3A_364 = arith.mulf %gather3A_362, %gather3A_363 : vector<16xf32>
        %add3A_365 = arith.addf %add3A_354, %mul3A_364 : vector<16xf32>
        %add3A_366 = arith.constant 3 : i32
        %add3A_367 = arith.addi %mul3A_333, %add3A_366 : i32
        %add3A_368 = vector.broadcast %add3A_367 : i32 to vector<16xi32>
        %add3A_369 = arith.addi %add3A_368, %iota3A : vector<16xi32>
        %and3A_370 = arith.constant 127 : i32
        %and3A_371 = vector.broadcast %and3A_370 : i32 to vector<16xi32>
        %and3A_372 = arith.andi %add3A_369, %and3A_371 : vector<16xi32>
        %gather3A_373 = tpu.vector_load_idx %arg15[%add3A_251, %and3A_372] : memref<128x128xf32, #tpu.memory_space<vmem>>[vector<16xi32>, vector<16xi32>], vector<16xf32>,
        %gather3A_374 = tpu.vector_load_idx %arg16[%add3A_251, %and3A_372] : memref<128x128xf32, #tpu.memory_space<vmem>>[vector<16xi32>, vector<16xi32>], vector<16xf32>,
        %mul3A_375 = arith.mulf %gather3A_373, %gather3A_374 : vector<16xf32>
        %add3A_376 = arith.addf %add3A_365, %mul3A_375 : vector<16xf32>
        %add3A_377 = arith.constant 4 : i32
        %add3A_378 = arith.addi %mul3A_333, %add3A_377 : i32
        %add3A_379 = vector.broadcast %add3A_378 : i32 to vector<16xi32>
        %add3A_380 = arith.addi %add3A_379, %iota3A : vector<16xi32>
        %and3A_381 = arith.constant 127 : i32
        %and3A_382 = vector.broadcast %and3A_381 : i32 to vector<16xi32>
        %and3A_383 = arith.andi %add3A_380, %and3A_382 : vector<16xi32>
        %gather3A_384 = tpu.vector_load_idx %arg15[%add3A_251, %and3A_383] : memref<128x128xf32, #tpu.memory_space<vmem>>[vector<16xi32>, vector<16xi32>], vector<16xf32>,
        %gather3A_385 = tpu.vector_load_idx %arg16[%add3A_251, %and3A_383] : memref<128x128xf32, #tpu.memory_space<vmem>>[vector<16xi32>, vector<16xi32>], vector<16xf32>,
        %mul3A_386 = arith.mulf %gather3A_384, %gather3A_385 : vector<16xf32>
        %add3A_387 = arith.addf %add3A_376, %mul3A_386 : vector<16xf32>
        %add3A_388 = arith.constant 5 : i32
        %add3A_389 = arith.addi %mul3A_333, %add3A_388 : i32
        %add3A_390 = vector.broadcast %add3A_389 : i32 to vector<16xi32>
        %add3A_391 = arith.addi %add3A_390, %iota3A : vector<16xi32>
        %and3A_392 = arith.constant 127 : i32
        %and3A_393 = vector.broadcast %and3A_392 : i32 to vector<16xi32>
        %and3A_394 = arith.andi %add3A_391, %and3A_393 : vector<16xi32>
        %gather3A_395 = tpu.vector_load_idx %arg15[%add3A_251, %and3A_394] : memref<128x128xf32, #tpu.memory_space<vmem>>[vector<16xi32>, vector<16xi32>], vector<16xf32>,
        %gather3A_396 = tpu.vector_load_idx %arg16[%add3A_251, %and3A_394] : memref<128x128xf32, #tpu.memory_space<vmem>>[vector<16xi32>, vector<16xi32>], vector<16xf32>,
        %mul3A_397 = arith.mulf %gather3A_395, %gather3A_396 : vector<16xf32>
        %add3A_398 = arith.addf %add3A_387, %mul3A_397 : vector<16xf32>
        %add3A_399 = arith.constant 6 : i32
        %add3A_400 = arith.addi %mul3A_333, %add3A_399 : i32
        %add3A_401 = vector.broadcast %add3A_400 : i32 to vector<16xi32>
        %add3A_402 = arith.addi %add3A_401, %iota3A : vector<16xi32>
        %and3A_403 = arith.constant 127 : i32
        %and3A_404 = vector.broadcast %and3A_403 : i32 to vector<16xi32>
        %and3A_405 = arith.andi %add3A_402, %and3A_404 : vector<16xi32>
        %gather3A_406 = tpu.vector_load_idx %arg15[%add3A_251, %and3A_405] : memref<128x128xf32, #tpu.memory_space<vmem>>[vector<16xi32>, vector<16xi32>], vector<16xf32>,
        %gather3A_407 = tpu.vector_load_idx %arg16[%add3A_251, %and3A_405] : memref<128x128xf32, #tpu.memory_space<vmem>>[vector<16xi32>, vector<16xi32>], vector<16xf32>,
        %mul3A_408 = arith.mulf %gather3A_406, %gather3A_407 : vector<16xf32>
        %add3A_409 = arith.addf %add3A_398, %mul3A_408 : vector<16xf32>
        %add3A_410 = arith.constant 7 : i32
        %add3A_411 = arith.addi %mul3A_333, %add3A_410 : i32
        %add3A_412 = vector.broadcast %add3A_411 : i32 to vector<16xi32>
        %add3A_413 = arith.addi %add3A_412, %iota3A : vector<16xi32>
        %and3A_414 = arith.constant 127 : i32
        %and3A_415 = vector.broadcast %and3A_414 : i32 to vector<16xi32>
        %and3A_416 = arith.andi %add3A_413, %and3A_415 : vector<16xi32>
        %gather3A_417 = tpu.vector_load_idx %arg15[%add3A_251, %and3A_416] : memref<128x128xf32, #tpu.memory_space<vmem>>[vector<16xi32>, vector<16xi32>], vector<16xf32>,
        %gather3A_418 = tpu.vector_load_idx %arg16[%add3A_251, %and3A_416] : memref<128x128xf32, #tpu.memory_space<vmem>>[vector<16xi32>, vector<16xi32>], vector<16xf32>,
        %mul3A_419 = arith.mulf %gather3A_417, %gather3A_418 : vector<16xf32>
        %add3A_420 = arith.addf %add3A_409, %mul3A_419 : vector<16xf32>
        scf.yield %add3A_420 : vector<16xf32>
      }
      %scan3A_259 = arith.constant 16 : i32
      %get3A = arith.constant 0 : i32
      %get3A_260 = arith.index_cast %get3A : i32 to index
      %get3A_261 = arith.index_cast %mul3A_249 : i32 to index
      %get3A_262 = tpu.vector_load %arg13[%get3A_260, %get3A_261] {strides = array<i32>} : memref<4x128xf32, #tpu.memory_space<vmem>>, vector<16xf32>,
      %get3A_263 = arith.constant 0 : i32
      %get3A_264 = arith.index_cast %get3A_263 : i32 to index
      %get3A_265 = arith.index_cast %mul3A_249 : i32 to index
      %get3A_266 = tpu.vector_load %arg14[%get3A_264, %get3A_265] {strides = array<i32>} : memref<4x128xf32, #tpu.memory_space<vmem>>, vector<16xf32>,
      %add3A_267 = arith.constant 0 : i32
      %add3A_268 = arith.addi %add3A_267, %mul3A_249 : i32
      %get3A_269 = arith.index_cast %add3A_268 : i32 to index
      %get3A_270 = tpu.vector_load %arg12[%get3A_269] {strides = array<i32>} : memref<512xf32, #tpu.memory_space<vmem>>, vector<16xf32>,
      %bitcast_convert_type3A = tpu.bitcast %get3A_270 : vector<16xf32> -> vector<16xi32>
      %shift_right_logical3A = arith.constant 23 : i32
      %shift_right_logical3A_271 = vector.broadcast %shift_right_logical3A : i32 to vector<16xi32>
      %shift_right_logical3A_272 = arith.shrui %bitcast_convert_type3A, %shift_right_logical3A_271 : vector<16xi32>
      %sub3A = arith.constant 127 : i32
      %sub3A_273 = vector.broadcast %sub3A : i32 to vector<16xi32>
      %sub3A_274 = arith.subi %shift_right_logical3A_272, %sub3A_273 : vector<16xi32>
      %and3A = arith.constant 8388607 : i32
      %and3A_275 = vector.broadcast %and3A : i32 to vector<16xi32>
      %and3A_276 = arith.andi %bitcast_convert_type3A, %and3A_275 : vector<16xi32>
      %or3A = arith.constant 1065353216 : i32
      %or3A_277 = vector.broadcast %or3A : i32 to vector<16xi32>
      %or3A_278 = arith.ori %and3A_276, %or3A_277 : vector<16xi32>
      %bitcast_convert_type3A_279 = tpu.bitcast %or3A_278 : vector<16xi32> -> vector<16xf32>
      %gt3A = arith.constant 1.41421354 : f32
      %gt3A_280 = vector.broadcast %gt3A : f32 to vector<16xf32>
      %gt3A_281 = arith.cmpf ogt, %bitcast_convert_type3A_279, %gt3A_280 : vector<16xf32>
      %mul3A_282 = arith.constant 5.000000e-01 : f32
      %mul3A_283 = vector.broadcast %mul3A_282 : f32 to vector<16xf32>
      %mul3A_284 = arith.mulf %bitcast_convert_type3A_279, %mul3A_283 : vector<16xf32>
      %select_n3A = arith.select %gt3A_281, %mul3A_284, %bitcast_convert_type3A_279 : vector<16xi1>, vector<16xf32>
      %convert_element_type3A = arith.sitofp %sub3A_274 : vector<16xi32> to vector<16xf32>
      %jit3A = arith.constant 1.000000e+00 : f32
      %jit3A_285 = arith.constant 0.000000e+00 : f32
      %broadcast_in_dim3A_286 = vector.broadcast %jit3A : f32 to vector<16xf32>
      %broadcast_in_dim3A_287 = vector.broadcast %jit3A_285 : f32 to vector<16xf32>
      %select_n3A_288 = arith.select %gt3A_281, %broadcast_in_dim3A_286, %broadcast_in_dim3A_287 : vector<16xi1>, vector<16xf32>
      %add3A_289 = arith.addf %convert_element_type3A, %select_n3A_288 : vector<16xf32>
      %sub3A_290 = arith.constant 1.000000e+00 : f32
      %sub3A_291 = vector.broadcast %sub3A_290 : f32 to vector<16xf32>
      %sub3A_292 = arith.subf %select_n3A, %sub3A_291 : vector<16xf32>
      %add3A_293 = arith.constant 1.000000e+00 : f32
      %add3A_294 = vector.broadcast %add3A_293 : f32 to vector<16xf32>
      %add3A_295 = arith.addf %select_n3A, %add3A_294 : vector<16xf32>
      %div3A = arith.divf %sub3A_292, %add3A_295 : vector<16xf32>
      %mul3A_296 = arith.mulf %div3A, %div3A : vector<16xf32>
      %mul3A_297 = arith.constant 0.285714298 : f32
      %mul3A_298 = vector.broadcast %mul3A_297 : f32 to vector<16xf32>
      %mul3A_299 = arith.mulf %mul3A_296, %mul3A_298 : vector<16xf32>
      %add3A_300 = arith.constant 4.000000e-01 : f32
      %add3A_301 = vector.broadcast %add3A_300 : f32 to vector<16xf32>
      %add3A_302 = arith.addf %add3A_301, %mul3A_299 : vector<16xf32>
      %mul3A_303 = arith.mulf %mul3A_296, %add3A_302 : vector<16xf32>
      %add3A_304 = arith.constant 0.666666686 : f32
      %add3A_305 = vector.broadcast %add3A_304 : f32 to vector<16xf32>
      %add3A_306 = arith.addf %add3A_305, %mul3A_303 : vector<16xf32>
      %mul3A_307 = arith.mulf %mul3A_296, %add3A_306 : vector<16xf32>
      %add3A_308 = arith.constant 2.000000e+00 : f32
      %add3A_309 = vector.broadcast %add3A_308 : f32 to vector<16xf32>
      %add3A_310 = arith.addf %add3A_309, %mul3A_307 : vector<16xf32>
      %mul3A_311 = arith.mulf %div3A, %add3A_310 : vector<16xf32>
      %mul3A_312 = arith.constant 0.693147182 : f32
      %mul3A_313 = vector.broadcast %mul3A_312 : f32 to vector<16xf32>
      %mul3A_314 = arith.mulf %add3A_289, %mul3A_313 : vector<16xf32>
      %add3A_315 = arith.addf %mul3A_314, %mul3A_311 : vector<16xf32>
      %mul3A_316 = arith.constant 7.500000e-01 : f32
      %mul3A_317 = vector.broadcast %mul3A_316 : f32 to vector<16xf32>
      %mul3A_318 = arith.mulf %mul3A_317, %add3A_315 : vector<16xf32>
      %sub3A_319 = arith.constant 3.45387769 : f32
      %sub3A_320 = vector.broadcast %sub3A_319 : f32 to vector<16xf32>
      %sub3A_321 = arith.subf %mul3A_318, %sub3A_320 : vector<16xf32>
      %exp3A = math.exp %sub3A_321 : vector<16xf32>
      %min3A = arith.constant 1.000000e+00 : f32
      %min3A_322 = vector.broadcast %min3A : f32 to vector<16xf32>
      %min3A_323 = arith.minimumf %exp3A, %min3A_322 : vector<16xf32>
      %add3A_324 = arith.addf %scan3A_258, %get3A_262 : vector<16xf32>
      %add3A_325 = arith.addf %add3A_324, %get3A_266 : vector<16xf32>
      %sub3A_326 = arith.subf %add3A_325, %add3A_315 : vector<16xf32>
      %mul3A_327 = arith.mulf %min3A_323, %sub3A_326 : vector<16xf32>
      %mul3A_328 = arith.mulf %mul3A_327, %sub3A_326 : vector<16xf32>
      %add3A_329 = arith.addf %scan3A_247, %mul3A_328 : vector<16xf32>
      scf.yield %add3A_329 : vector<16xf32>
    }
    %scan3A_176 = arith.constant 8 : i32
    %dma_start3A_177 = arith.constant 256 : i32
    %dma_start3A_178 = tpu.memref_slice %arg10[%dma_start3A_177] : memref<512xi32, #tpu.memory_space<vmem>> -> memref<128xi32, #tpu.memory_space<vmem>>
    %dma_start3A_179 = arith.constant 0 : i32
    %dma_start3A_180 = arith.constant 0 : i32
    %dma_start3A_181 = tpu.memref_slice %arg5[%dma_start3A_179, %dma_start3A_180] : memref<100000x128xf32, #tpu.memory_space<hbm>> -> memref<100000x128xf32, #tpu.memory_space<hbm>>
    tpu.enqueue_indirect_dma source(%dma_start3A_181 : memref<100000x128xf32, #tpu.memory_space<hbm>>) target(%arg15 : memref<128x128xf32, #tpu.memory_space<vmem>>) offsets(%dma_start3A_178 : memref<128xi32, #tpu.memory_space<vmem>>) semaphore(%arg22 : memref<!tpu.dma_semaphore, #tpu.memory_space<semaphore_mem>>)
    %dma_start3A_182 = arith.constant 256 : i32
    %dma_start3A_183 = tpu.memref_slice %arg11[%dma_start3A_182] : memref<512xi32, #tpu.memory_space<vmem>> -> memref<128xi32, #tpu.memory_space<vmem>>
    %dma_start3A_184 = arith.constant 0 : i32
    %dma_start3A_185 = arith.constant 0 : i32
    %dma_start3A_186 = tpu.memref_slice %arg6[%dma_start3A_184, %dma_start3A_185] : memref<100000x128xf32, #tpu.memory_space<hbm>> -> memref<100000x128xf32, #tpu.memory_space<hbm>>
    tpu.enqueue_indirect_dma source(%dma_start3A_186 : memref<100000x128xf32, #tpu.memory_space<hbm>>) target(%arg16 : memref<128x128xf32, #tpu.memory_space<vmem>>) offsets(%dma_start3A_183 : memref<128xi32, #tpu.memory_space<vmem>>) semaphore(%arg22 : memref<!tpu.dma_semaphore, #tpu.memory_space<semaphore_mem>>)
    %dma_wait3A_187 = arith.constant 128 : i32
    %dma_wait3A_188 = tpu.memref_slice %arg10[%dma_wait3A_187] : memref<512xi32, #tpu.memory_space<vmem>> -> memref<128xi32, #tpu.memory_space<vmem>>
    %dma_wait3A_189 = arith.constant 0 : i32
    %dma_wait3A_190 = arith.constant 0 : i32
    %dma_wait3A_191 = tpu.memref_slice %arg5[%dma_wait3A_189, %dma_wait3A_190] : memref<100000x128xf32, #tpu.memory_space<hbm>> -> memref<100000x128xf32, #tpu.memory_space<hbm>>
    tpu.wait_indirect_dma semaphore(%arg23 : memref<!tpu.dma_semaphore, #tpu.memory_space<semaphore_mem>>) src(%dma_wait3A_191 : memref<100000x128xf32, #tpu.memory_space<hbm>>) dst(%arg17 : memref<128x128xf32, #tpu.memory_space<vmem>>)
    %dma_wait3A_192 = arith.constant 128 : i32
    %dma_wait3A_193 = tpu.memref_slice %arg11[%dma_wait3A_192] : memref<512xi32, #tpu.memory_space<vmem>> -> memref<128xi32, #tpu.memory_space<vmem>>
    %dma_wait3A_194 = arith.constant 0 : i32
    %dma_wait3A_195 = arith.constant 0 : i32
    %dma_wait3A_196 = tpu.memref_slice %arg6[%dma_wait3A_194, %dma_wait3A_195] : memref<100000x128xf32, #tpu.memory_space<hbm>> -> memref<100000x128xf32, #tpu.memory_space<hbm>>
    tpu.wait_indirect_dma semaphore(%arg23 : memref<!tpu.dma_semaphore, #tpu.memory_space<semaphore_mem>>) src(%dma_wait3A_196 : memref<100000x128xf32, #tpu.memory_space<hbm>>) dst(%arg18 : memref<128x128xf32, #tpu.memory_space<vmem>>)
    %scan3A_197 = arith.constant 0 : i32
    %scan3A_198 = arith.constant 8 : i32
    %scan3A_199 = arith.addi %scan3A_197, %scan3A_198 : i32
    %scan3A_200 = arith.constant 1 : i32
    %scan3A_201 = scf.for %scan3A_246 = %scan3A_197 to %scan3A_199 step %scan3A_200 iter_args(%scan3A_247 = %scan3A_175) -> (vector<16xf32>)  : i32 {
      %mul3A_248 = arith.constant 16 : i32
      %mul3A_249 = arith.muli %scan3A_246, %mul3A_248 : i32
      %add3A_250 = vector.broadcast %mul3A_249 : i32 to vector<16xi32>
      %add3A_251 = arith.addi %add3A_250, %iota3A : vector<16xi32>
      %broadcast_in_dim3A_252 = arith.constant 0.000000e+00 : f32
      %broadcast_in_dim3A_253 = vector.broadcast %broadcast_in_dim3A_252 : f32 to vector<16xf32>
      %scan3A_254 = arith.constant 0 : i32
      %scan3A_255 = arith.constant 16 : i32
      %scan3A_256 = arith.addi %scan3A_254, %scan3A_255 : i32
      %scan3A_257 = arith.constant 1 : i32
      %scan3A_258 = scf.for %scan3A_330 = %scan3A_254 to %scan3A_256 step %scan3A_257 iter_args(%scan3A_331 = %broadcast_in_dim3A_253) -> (vector<16xf32>)  : i32 {
        %mul3A_332 = arith.constant 8 : i32
        %mul3A_333 = arith.muli %scan3A_330, %mul3A_332 : i32
        %add3A_334 = arith.constant 0 : i32
        %add3A_335 = arith.addi %mul3A_333, %add3A_334 : i32
        %add3A_336 = vector.broadcast %add3A_335 : i32 to vector<16xi32>
        %add3A_337 = arith.addi %add3A_336, %iota3A : vector<16xi32>
        %and3A_338 = arith.constant 127 : i32
        %and3A_339 = vector.broadcast %and3A_338 : i32 to vector<16xi32>
        %and3A_340 = arith.andi %add3A_337, %and3A_339 : vector<16xi32>
        %gather3A = tpu.vector_load_idx %arg17[%add3A_251, %and3A_340] : memref<128x128xf32, #tpu.memory_space<vmem>>[vector<16xi32>, vector<16xi32>], vector<16xf32>,
        %gather3A_341 = tpu.vector_load_idx %arg18[%add3A_251, %and3A_340] : memref<128x128xf32, #tpu.memory_space<vmem>>[vector<16xi32>, vector<16xi32>], vector<16xf32>,
        %mul3A_342 = arith.mulf %gather3A, %gather3A_341 : vector<16xf32>
        %add3A_343 = arith.addf %scan3A_331, %mul3A_342 : vector<16xf32>
        %add3A_344 = arith.constant 1 : i32
        %add3A_345 = arith.addi %mul3A_333, %add3A_344 : i32
        %add3A_346 = vector.broadcast %add3A_345 : i32 to vector<16xi32>
        %add3A_347 = arith.addi %add3A_346, %iota3A : vector<16xi32>
        %and3A_348 = arith.constant 127 : i32
        %and3A_349 = vector.broadcast %and3A_348 : i32 to vector<16xi32>
        %and3A_350 = arith.andi %add3A_347, %and3A_349 : vector<16xi32>
        %gather3A_351 = tpu.vector_load_idx %arg17[%add3A_251, %and3A_350] : memref<128x128xf32, #tpu.memory_space<vmem>>[vector<16xi32>, vector<16xi32>], vector<16xf32>,
        %gather3A_352 = tpu.vector_load_idx %arg18[%add3A_251, %and3A_350] : memref<128x128xf32, #tpu.memory_space<vmem>>[vector<16xi32>, vector<16xi32>], vector<16xf32>,
        %mul3A_353 = arith.mulf %gather3A_351, %gather3A_352 : vector<16xf32>
        %add3A_354 = arith.addf %add3A_343, %mul3A_353 : vector<16xf32>
        %add3A_355 = arith.constant 2 : i32
        %add3A_356 = arith.addi %mul3A_333, %add3A_355 : i32
        %add3A_357 = vector.broadcast %add3A_356 : i32 to vector<16xi32>
        %add3A_358 = arith.addi %add3A_357, %iota3A : vector<16xi32>
        %and3A_359 = arith.constant 127 : i32
        %and3A_360 = vector.broadcast %and3A_359 : i32 to vector<16xi32>
        %and3A_361 = arith.andi %add3A_358, %and3A_360 : vector<16xi32>
        %gather3A_362 = tpu.vector_load_idx %arg17[%add3A_251, %and3A_361] : memref<128x128xf32, #tpu.memory_space<vmem>>[vector<16xi32>, vector<16xi32>], vector<16xf32>,
        %gather3A_363 = tpu.vector_load_idx %arg18[%add3A_251, %and3A_361] : memref<128x128xf32, #tpu.memory_space<vmem>>[vector<16xi32>, vector<16xi32>], vector<16xf32>,
        %mul3A_364 = arith.mulf %gather3A_362, %gather3A_363 : vector<16xf32>
        %add3A_365 = arith.addf %add3A_354, %mul3A_364 : vector<16xf32>
        %add3A_366 = arith.constant 3 : i32
        %add3A_367 = arith.addi %mul3A_333, %add3A_366 : i32
        %add3A_368 = vector.broadcast %add3A_367 : i32 to vector<16xi32>
        %add3A_369 = arith.addi %add3A_368, %iota3A : vector<16xi32>
        %and3A_370 = arith.constant 127 : i32
        %and3A_371 = vector.broadcast %and3A_370 : i32 to vector<16xi32>
        %and3A_372 = arith.andi %add3A_369, %and3A_371 : vector<16xi32>
        %gather3A_373 = tpu.vector_load_idx %arg17[%add3A_251, %and3A_372] : memref<128x128xf32, #tpu.memory_space<vmem>>[vector<16xi32>, vector<16xi32>], vector<16xf32>,
        %gather3A_374 = tpu.vector_load_idx %arg18[%add3A_251, %and3A_372] : memref<128x128xf32, #tpu.memory_space<vmem>>[vector<16xi32>, vector<16xi32>], vector<16xf32>,
        %mul3A_375 = arith.mulf %gather3A_373, %gather3A_374 : vector<16xf32>
        %add3A_376 = arith.addf %add3A_365, %mul3A_375 : vector<16xf32>
        %add3A_377 = arith.constant 4 : i32
        %add3A_378 = arith.addi %mul3A_333, %add3A_377 : i32
        %add3A_379 = vector.broadcast %add3A_378 : i32 to vector<16xi32>
        %add3A_380 = arith.addi %add3A_379, %iota3A : vector<16xi32>
        %and3A_381 = arith.constant 127 : i32
        %and3A_382 = vector.broadcast %and3A_381 : i32 to vector<16xi32>
        %and3A_383 = arith.andi %add3A_380, %and3A_382 : vector<16xi32>
        %gather3A_384 = tpu.vector_load_idx %arg17[%add3A_251, %and3A_383] : memref<128x128xf32, #tpu.memory_space<vmem>>[vector<16xi32>, vector<16xi32>], vector<16xf32>,
        %gather3A_385 = tpu.vector_load_idx %arg18[%add3A_251, %and3A_383] : memref<128x128xf32, #tpu.memory_space<vmem>>[vector<16xi32>, vector<16xi32>], vector<16xf32>,
        %mul3A_386 = arith.mulf %gather3A_384, %gather3A_385 : vector<16xf32>
        %add3A_387 = arith.addf %add3A_376, %mul3A_386 : vector<16xf32>
        %add3A_388 = arith.constant 5 : i32
        %add3A_389 = arith.addi %mul3A_333, %add3A_388 : i32
        %add3A_390 = vector.broadcast %add3A_389 : i32 to vector<16xi32>
        %add3A_391 = arith.addi %add3A_390, %iota3A : vector<16xi32>
        %and3A_392 = arith.constant 127 : i32
        %and3A_393 = vector.broadcast %and3A_392 : i32 to vector<16xi32>
        %and3A_394 = arith.andi %add3A_391, %and3A_393 : vector<16xi32>
        %gather3A_395 = tpu.vector_load_idx %arg17[%add3A_251, %and3A_394] : memref<128x128xf32, #tpu.memory_space<vmem>>[vector<16xi32>, vector<16xi32>], vector<16xf32>,
        %gather3A_396 = tpu.vector_load_idx %arg18[%add3A_251, %and3A_394] : memref<128x128xf32, #tpu.memory_space<vmem>>[vector<16xi32>, vector<16xi32>], vector<16xf32>,
        %mul3A_397 = arith.mulf %gather3A_395, %gather3A_396 : vector<16xf32>
        %add3A_398 = arith.addf %add3A_387, %mul3A_397 : vector<16xf32>
        %add3A_399 = arith.constant 6 : i32
        %add3A_400 = arith.addi %mul3A_333, %add3A_399 : i32
        %add3A_401 = vector.broadcast %add3A_400 : i32 to vector<16xi32>
        %add3A_402 = arith.addi %add3A_401, %iota3A : vector<16xi32>
        %and3A_403 = arith.constant 127 : i32
        %and3A_404 = vector.broadcast %and3A_403 : i32 to vector<16xi32>
        %and3A_405 = arith.andi %add3A_402, %and3A_404 : vector<16xi32>
        %gather3A_406 = tpu.vector_load_idx %arg17[%add3A_251, %and3A_405] : memref<128x128xf32, #tpu.memory_space<vmem>>[vector<16xi32>, vector<16xi32>], vector<16xf32>,
        %gather3A_407 = tpu.vector_load_idx %arg18[%add3A_251, %and3A_405] : memref<128x128xf32, #tpu.memory_space<vmem>>[vector<16xi32>, vector<16xi32>], vector<16xf32>,
        %mul3A_408 = arith.mulf %gather3A_406, %gather3A_407 : vector<16xf32>
        %add3A_409 = arith.addf %add3A_398, %mul3A_408 : vector<16xf32>
        %add3A_410 = arith.constant 7 : i32
        %add3A_411 = arith.addi %mul3A_333, %add3A_410 : i32
        %add3A_412 = vector.broadcast %add3A_411 : i32 to vector<16xi32>
        %add3A_413 = arith.addi %add3A_412, %iota3A : vector<16xi32>
        %and3A_414 = arith.constant 127 : i32
        %and3A_415 = vector.broadcast %and3A_414 : i32 to vector<16xi32>
        %and3A_416 = arith.andi %add3A_413, %and3A_415 : vector<16xi32>
        %gather3A_417 = tpu.vector_load_idx %arg17[%add3A_251, %and3A_416] : memref<128x128xf32, #tpu.memory_space<vmem>>[vector<16xi32>, vector<16xi32>], vector<16xf32>,
        %gather3A_418 = tpu.vector_load_idx %arg18[%add3A_251, %and3A_416] : memref<128x128xf32, #tpu.memory_space<vmem>>[vector<16xi32>, vector<16xi32>], vector<16xf32>,
        %mul3A_419 = arith.mulf %gather3A_417, %gather3A_418 : vector<16xf32>
        %add3A_420 = arith.addf %add3A_409, %mul3A_419 : vector<16xf32>
        scf.yield %add3A_420 : vector<16xf32>
      }
      %scan3A_259 = arith.constant 16 : i32
      %get3A = arith.constant 1 : i32
      %get3A_260 = arith.index_cast %get3A : i32 to index
      %get3A_261 = arith.index_cast %mul3A_249 : i32 to index
      %get3A_262 = tpu.vector_load %arg13[%get3A_260, %get3A_261] {strides = array<i32>} : memref<4x128xf32, #tpu.memory_space<vmem>>, vector<16xf32>,
      %get3A_263 = arith.constant 1 : i32
      %get3A_264 = arith.index_cast %get3A_263 : i32 to index
      %get3A_265 = arith.index_cast %mul3A_249 : i32 to index
      %get3A_266 = tpu.vector_load %arg14[%get3A_264, %get3A_265] {strides = array<i32>} : memref<4x128xf32, #tpu.memory_space<vmem>>, vector<16xf32>,
      %add3A_267 = arith.constant 128 : i32
      %add3A_268 = arith.addi %add3A_267, %mul3A_249 : i32
      %get3A_269 = arith.index_cast %add3A_268 : i32 to index
      %get3A_270 = tpu.vector_load %arg12[%get3A_269] {strides = array<i32>} : memref<512xf32, #tpu.memory_space<vmem>>, vector<16xf32>,
      %bitcast_convert_type3A = tpu.bitcast %get3A_270 : vector<16xf32> -> vector<16xi32>
      %shift_right_logical3A = arith.constant 23 : i32
      %shift_right_logical3A_271 = vector.broadcast %shift_right_logical3A : i32 to vector<16xi32>
      %shift_right_logical3A_272 = arith.shrui %bitcast_convert_type3A, %shift_right_logical3A_271 : vector<16xi32>
      %sub3A = arith.constant 127 : i32
      %sub3A_273 = vector.broadcast %sub3A : i32 to vector<16xi32>
      %sub3A_274 = arith.subi %shift_right_logical3A_272, %sub3A_273 : vector<16xi32>
      %and3A = arith.constant 8388607 : i32
      %and3A_275 = vector.broadcast %and3A : i32 to vector<16xi32>
      %and3A_276 = arith.andi %bitcast_convert_type3A, %and3A_275 : vector<16xi32>
      %or3A = arith.constant 1065353216 : i32
      %or3A_277 = vector.broadcast %or3A : i32 to vector<16xi32>
      %or3A_278 = arith.ori %and3A_276, %or3A_277 : vector<16xi32>
      %bitcast_convert_type3A_279 = tpu.bitcast %or3A_278 : vector<16xi32> -> vector<16xf32>
      %gt3A = arith.constant 1.41421354 : f32
      %gt3A_280 = vector.broadcast %gt3A : f32 to vector<16xf32>
      %gt3A_281 = arith.cmpf ogt, %bitcast_convert_type3A_279, %gt3A_280 : vector<16xf32>
      %mul3A_282 = arith.constant 5.000000e-01 : f32
      %mul3A_283 = vector.broadcast %mul3A_282 : f32 to vector<16xf32>
      %mul3A_284 = arith.mulf %bitcast_convert_type3A_279, %mul3A_283 : vector<16xf32>
      %select_n3A = arith.select %gt3A_281, %mul3A_284, %bitcast_convert_type3A_279 : vector<16xi1>, vector<16xf32>
      %convert_element_type3A = arith.sitofp %sub3A_274 : vector<16xi32> to vector<16xf32>
      %jit3A = arith.constant 1.000000e+00 : f32
      %jit3A_285 = arith.constant 0.000000e+00 : f32
      %broadcast_in_dim3A_286 = vector.broadcast %jit3A : f32 to vector<16xf32>
      %broadcast_in_dim3A_287 = vector.broadcast %jit3A_285 : f32 to vector<16xf32>
      %select_n3A_288 = arith.select %gt3A_281, %broadcast_in_dim3A_286, %broadcast_in_dim3A_287 : vector<16xi1>, vector<16xf32>
      %add3A_289 = arith.addf %convert_element_type3A, %select_n3A_288 : vector<16xf32>
      %sub3A_290 = arith.constant 1.000000e+00 : f32
      %sub3A_291 = vector.broadcast %sub3A_290 : f32 to vector<16xf32>
      %sub3A_292 = arith.subf %select_n3A, %sub3A_291 : vector<16xf32>
      %add3A_293 = arith.constant 1.000000e+00 : f32
      %add3A_294 = vector.broadcast %add3A_293 : f32 to vector<16xf32>
      %add3A_295 = arith.addf %select_n3A, %add3A_294 : vector<16xf32>
      %div3A = arith.divf %sub3A_292, %add3A_295 : vector<16xf32>
      %mul3A_296 = arith.mulf %div3A, %div3A : vector<16xf32>
      %mul3A_297 = arith.constant 0.285714298 : f32
      %mul3A_298 = vector.broadcast %mul3A_297 : f32 to vector<16xf32>
      %mul3A_299 = arith.mulf %mul3A_296, %mul3A_298 : vector<16xf32>
      %add3A_300 = arith.constant 4.000000e-01 : f32
      %add3A_301 = vector.broadcast %add3A_300 : f32 to vector<16xf32>
      %add3A_302 = arith.addf %add3A_301, %mul3A_299 : vector<16xf32>
      %mul3A_303 = arith.mulf %mul3A_296, %add3A_302 : vector<16xf32>
      %add3A_304 = arith.constant 0.666666686 : f32
      %add3A_305 = vector.broadcast %add3A_304 : f32 to vector<16xf32>
      %add3A_306 = arith.addf %add3A_305, %mul3A_303 : vector<16xf32>
      %mul3A_307 = arith.mulf %mul3A_296, %add3A_306 : vector<16xf32>
      %add3A_308 = arith.constant 2.000000e+00 : f32
      %add3A_309 = vector.broadcast %add3A_308 : f32 to vector<16xf32>
      %add3A_310 = arith.addf %add3A_309, %mul3A_307 : vector<16xf32>
      %mul3A_311 = arith.mulf %div3A, %add3A_310 : vector<16xf32>
      %mul3A_312 = arith.constant 0.693147182 : f32
      %mul3A_313 = vector.broadcast %mul3A_312 : f32 to vector<16xf32>
      %mul3A_314 = arith.mulf %add3A_289, %mul3A_313 : vector<16xf32>
      %add3A_315 = arith.addf %mul3A_314, %mul3A_311 : vector<16xf32>
      %mul3A_316 = arith.constant 7.500000e-01 : f32
      %mul3A_317 = vector.broadcast %mul3A_316 : f32 to vector<16xf32>
      %mul3A_318 = arith.mulf %mul3A_317, %add3A_315 : vector<16xf32>
      %sub3A_319 = arith.constant 3.45387769 : f32
      %sub3A_320 = vector.broadcast %sub3A_319 : f32 to vector<16xf32>
      %sub3A_321 = arith.subf %mul3A_318, %sub3A_320 : vector<16xf32>
      %exp3A = math.exp %sub3A_321 : vector<16xf32>
      %min3A = arith.constant 1.000000e+00 : f32
      %min3A_322 = vector.broadcast %min3A : f32 to vector<16xf32>
      %min3A_323 = arith.minimumf %exp3A, %min3A_322 : vector<16xf32>
      %add3A_324 = arith.addf %scan3A_258, %get3A_262 : vector<16xf32>
      %add3A_325 = arith.addf %add3A_324, %get3A_266 : vector<16xf32>
      %sub3A_326 = arith.subf %add3A_325, %add3A_315 : vector<16xf32>
      %mul3A_327 = arith.mulf %min3A_323, %sub3A_326 : vector<16xf32>
      %mul3A_328 = arith.mulf %mul3A_327, %sub3A_326 : vector<16xf32>
      %add3A_329 = arith.addf %scan3A_247, %mul3A_328 : vector<16xf32>
      scf.yield %add3A_329 : vector<16xf32>
    }
    %scan3A_202 = arith.constant 8 : i32
    %dma_start3A_203 = arith.constant 384 : i32
    %dma_start3A_204 = tpu.memref_slice %arg10[%dma_start3A_203] : memref<512xi32, #tpu.memory_space<vmem>> -> memref<128xi32, #tpu.memory_space<vmem>>
    %dma_start3A_205 = arith.constant 0 : i32
    %dma_start3A_206 = arith.constant 0 : i32
    %dma_start3A_207 = tpu.memref_slice %arg5[%dma_start3A_205, %dma_start3A_206] : memref<100000x128xf32, #tpu.memory_space<hbm>> -> memref<100000x128xf32, #tpu.memory_space<hbm>>
    tpu.enqueue_indirect_dma source(%dma_start3A_207 : memref<100000x128xf32, #tpu.memory_space<hbm>>) target(%arg17 : memref<128x128xf32, #tpu.memory_space<vmem>>) offsets(%dma_start3A_204 : memref<128xi32, #tpu.memory_space<vmem>>) semaphore(%arg23 : memref<!tpu.dma_semaphore, #tpu.memory_space<semaphore_mem>>)
    %dma_start3A_208 = arith.constant 384 : i32
    %dma_start3A_209 = tpu.memref_slice %arg11[%dma_start3A_208] : memref<512xi32, #tpu.memory_space<vmem>> -> memref<128xi32, #tpu.memory_space<vmem>>
    %dma_start3A_210 = arith.constant 0 : i32
    %dma_start3A_211 = arith.constant 0 : i32
    %dma_start3A_212 = tpu.memref_slice %arg6[%dma_start3A_210, %dma_start3A_211] : memref<100000x128xf32, #tpu.memory_space<hbm>> -> memref<100000x128xf32, #tpu.memory_space<hbm>>
    tpu.enqueue_indirect_dma source(%dma_start3A_212 : memref<100000x128xf32, #tpu.memory_space<hbm>>) target(%arg18 : memref<128x128xf32, #tpu.memory_space<vmem>>) offsets(%dma_start3A_209 : memref<128xi32, #tpu.memory_space<vmem>>) semaphore(%arg23 : memref<!tpu.dma_semaphore, #tpu.memory_space<semaphore_mem>>)
    %dma_wait3A_213 = arith.constant 256 : i32
    %dma_wait3A_214 = tpu.memref_slice %arg10[%dma_wait3A_213] : memref<512xi32, #tpu.memory_space<vmem>> -> memref<128xi32, #tpu.memory_space<vmem>>
    %dma_wait3A_215 = arith.constant 0 : i32
    %dma_wait3A_216 = arith.constant 0 : i32
    %dma_wait3A_217 = tpu.memref_slice %arg5[%dma_wait3A_215, %dma_wait3A_216] : memref<100000x128xf32, #tpu.memory_space<hbm>> -> memref<100000x128xf32, #tpu.memory_space<hbm>>
    tpu.wait_indirect_dma semaphore(%arg22 : memref<!tpu.dma_semaphore, #tpu.memory_space<semaphore_mem>>) src(%dma_wait3A_217 : memref<100000x128xf32, #tpu.memory_space<hbm>>) dst(%arg15 : memref<128x128xf32, #tpu.memory_space<vmem>>)
    %dma_wait3A_218 = arith.constant 256 : i32
    %dma_wait3A_219 = tpu.memref_slice %arg11[%dma_wait3A_218] : memref<512xi32, #tpu.memory_space<vmem>> -> memref<128xi32, #tpu.memory_space<vmem>>
    %dma_wait3A_220 = arith.constant 0 : i32
    %dma_wait3A_221 = arith.constant 0 : i32
    %dma_wait3A_222 = tpu.memref_slice %arg6[%dma_wait3A_220, %dma_wait3A_221] : memref<100000x128xf32, #tpu.memory_space<hbm>> -> memref<100000x128xf32, #tpu.memory_space<hbm>>
    tpu.wait_indirect_dma semaphore(%arg22 : memref<!tpu.dma_semaphore, #tpu.memory_space<semaphore_mem>>) src(%dma_wait3A_222 : memref<100000x128xf32, #tpu.memory_space<hbm>>) dst(%arg16 : memref<128x128xf32, #tpu.memory_space<vmem>>)
    %scan3A_223 = arith.constant 0 : i32
    %scan3A_224 = arith.constant 8 : i32
    %scan3A_225 = arith.addi %scan3A_223, %scan3A_224 : i32
    %scan3A_226 = arith.constant 1 : i32
    %scan3A_227 = scf.for %scan3A_246 = %scan3A_223 to %scan3A_225 step %scan3A_226 iter_args(%scan3A_247 = %scan3A_201) -> (vector<16xf32>)  : i32 {
      %mul3A_248 = arith.constant 16 : i32
      %mul3A_249 = arith.muli %scan3A_246, %mul3A_248 : i32
      %add3A_250 = vector.broadcast %mul3A_249 : i32 to vector<16xi32>
      %add3A_251 = arith.addi %add3A_250, %iota3A : vector<16xi32>
      %broadcast_in_dim3A_252 = arith.constant 0.000000e+00 : f32
      %broadcast_in_dim3A_253 = vector.broadcast %broadcast_in_dim3A_252 : f32 to vector<16xf32>
      %scan3A_254 = arith.constant 0 : i32
      %scan3A_255 = arith.constant 16 : i32
      %scan3A_256 = arith.addi %scan3A_254, %scan3A_255 : i32
      %scan3A_257 = arith.constant 1 : i32
      %scan3A_258 = scf.for %scan3A_330 = %scan3A_254 to %scan3A_256 step %scan3A_257 iter_args(%scan3A_331 = %broadcast_in_dim3A_253) -> (vector<16xf32>)  : i32 {
        %mul3A_332 = arith.constant 8 : i32
        %mul3A_333 = arith.muli %scan3A_330, %mul3A_332 : i32
        %add3A_334 = arith.constant 0 : i32
        %add3A_335 = arith.addi %mul3A_333, %add3A_334 : i32
        %add3A_336 = vector.broadcast %add3A_335 : i32 to vector<16xi32>
        %add3A_337 = arith.addi %add3A_336, %iota3A : vector<16xi32>
        %and3A_338 = arith.constant 127 : i32
        %and3A_339 = vector.broadcast %and3A_338 : i32 to vector<16xi32>
        %and3A_340 = arith.andi %add3A_337, %and3A_339 : vector<16xi32>
        %gather3A = tpu.vector_load_idx %arg15[%add3A_251, %and3A_340] : memref<128x128xf32, #tpu.memory_space<vmem>>[vector<16xi32>, vector<16xi32>], vector<16xf32>,
        %gather3A_341 = tpu.vector_load_idx %arg16[%add3A_251, %and3A_340] : memref<128x128xf32, #tpu.memory_space<vmem>>[vector<16xi32>, vector<16xi32>], vector<16xf32>,
        %mul3A_342 = arith.mulf %gather3A, %gather3A_341 : vector<16xf32>
        %add3A_343 = arith.addf %scan3A_331, %mul3A_342 : vector<16xf32>
        %add3A_344 = arith.constant 1 : i32
        %add3A_345 = arith.addi %mul3A_333, %add3A_344 : i32
        %add3A_346 = vector.broadcast %add3A_345 : i32 to vector<16xi32>
        %add3A_347 = arith.addi %add3A_346, %iota3A : vector<16xi32>
        %and3A_348 = arith.constant 127 : i32
        %and3A_349 = vector.broadcast %and3A_348 : i32 to vector<16xi32>
        %and3A_350 = arith.andi %add3A_347, %and3A_349 : vector<16xi32>
        %gather3A_351 = tpu.vector_load_idx %arg15[%add3A_251, %and3A_350] : memref<128x128xf32, #tpu.memory_space<vmem>>[vector<16xi32>, vector<16xi32>], vector<16xf32>,
        %gather3A_352 = tpu.vector_load_idx %arg16[%add3A_251, %and3A_350] : memref<128x128xf32, #tpu.memory_space<vmem>>[vector<16xi32>, vector<16xi32>], vector<16xf32>,
        %mul3A_353 = arith.mulf %gather3A_351, %gather3A_352 : vector<16xf32>
        %add3A_354 = arith.addf %add3A_343, %mul3A_353 : vector<16xf32>
        %add3A_355 = arith.constant 2 : i32
        %add3A_356 = arith.addi %mul3A_333, %add3A_355 : i32
        %add3A_357 = vector.broadcast %add3A_356 : i32 to vector<16xi32>
        %add3A_358 = arith.addi %add3A_357, %iota3A : vector<16xi32>
        %and3A_359 = arith.constant 127 : i32
        %and3A_360 = vector.broadcast %and3A_359 : i32 to vector<16xi32>
        %and3A_361 = arith.andi %add3A_358, %and3A_360 : vector<16xi32>
        %gather3A_362 = tpu.vector_load_idx %arg15[%add3A_251, %and3A_361] : memref<128x128xf32, #tpu.memory_space<vmem>>[vector<16xi32>, vector<16xi32>], vector<16xf32>,
        %gather3A_363 = tpu.vector_load_idx %arg16[%add3A_251, %and3A_361] : memref<128x128xf32, #tpu.memory_space<vmem>>[vector<16xi32>, vector<16xi32>], vector<16xf32>,
        %mul3A_364 = arith.mulf %gather3A_362, %gather3A_363 : vector<16xf32>
        %add3A_365 = arith.addf %add3A_354, %mul3A_364 : vector<16xf32>
        %add3A_366 = arith.constant 3 : i32
        %add3A_367 = arith.addi %mul3A_333, %add3A_366 : i32
        %add3A_368 = vector.broadcast %add3A_367 : i32 to vector<16xi32>
        %add3A_369 = arith.addi %add3A_368, %iota3A : vector<16xi32>
        %and3A_370 = arith.constant 127 : i32
        %and3A_371 = vector.broadcast %and3A_370 : i32 to vector<16xi32>
        %and3A_372 = arith.andi %add3A_369, %and3A_371 : vector<16xi32>
        %gather3A_373 = tpu.vector_load_idx %arg15[%add3A_251, %and3A_372] : memref<128x128xf32, #tpu.memory_space<vmem>>[vector<16xi32>, vector<16xi32>], vector<16xf32>,
        %gather3A_374 = tpu.vector_load_idx %arg16[%add3A_251, %and3A_372] : memref<128x128xf32, #tpu.memory_space<vmem>>[vector<16xi32>, vector<16xi32>], vector<16xf32>,
        %mul3A_375 = arith.mulf %gather3A_373, %gather3A_374 : vector<16xf32>
        %add3A_376 = arith.addf %add3A_365, %mul3A_375 : vector<16xf32>
        %add3A_377 = arith.constant 4 : i32
        %add3A_378 = arith.addi %mul3A_333, %add3A_377 : i32
        %add3A_379 = vector.broadcast %add3A_378 : i32 to vector<16xi32>
        %add3A_380 = arith.addi %add3A_379, %iota3A : vector<16xi32>
        %and3A_381 = arith.constant 127 : i32
        %and3A_382 = vector.broadcast %and3A_381 : i32 to vector<16xi32>
        %and3A_383 = arith.andi %add3A_380, %and3A_382 : vector<16xi32>
        %gather3A_384 = tpu.vector_load_idx %arg15[%add3A_251, %and3A_383] : memref<128x128xf32, #tpu.memory_space<vmem>>[vector<16xi32>, vector<16xi32>], vector<16xf32>,
        %gather3A_385 = tpu.vector_load_idx %arg16[%add3A_251, %and3A_383] : memref<128x128xf32, #tpu.memory_space<vmem>>[vector<16xi32>, vector<16xi32>], vector<16xf32>,
        %mul3A_386 = arith.mulf %gather3A_384, %gather3A_385 : vector<16xf32>
        %add3A_387 = arith.addf %add3A_376, %mul3A_386 : vector<16xf32>
        %add3A_388 = arith.constant 5 : i32
        %add3A_389 = arith.addi %mul3A_333, %add3A_388 : i32
        %add3A_390 = vector.broadcast %add3A_389 : i32 to vector<16xi32>
        %add3A_391 = arith.addi %add3A_390, %iota3A : vector<16xi32>
        %and3A_392 = arith.constant 127 : i32
        %and3A_393 = vector.broadcast %and3A_392 : i32 to vector<16xi32>
        %and3A_394 = arith.andi %add3A_391, %and3A_393 : vector<16xi32>
        %gather3A_395 = tpu.vector_load_idx %arg15[%add3A_251, %and3A_394] : memref<128x128xf32, #tpu.memory_space<vmem>>[vector<16xi32>, vector<16xi32>], vector<16xf32>,
        %gather3A_396 = tpu.vector_load_idx %arg16[%add3A_251, %and3A_394] : memref<128x128xf32, #tpu.memory_space<vmem>>[vector<16xi32>, vector<16xi32>], vector<16xf32>,
        %mul3A_397 = arith.mulf %gather3A_395, %gather3A_396 : vector<16xf32>
        %add3A_398 = arith.addf %add3A_387, %mul3A_397 : vector<16xf32>
        %add3A_399 = arith.constant 6 : i32
        %add3A_400 = arith.addi %mul3A_333, %add3A_399 : i32
        %add3A_401 = vector.broadcast %add3A_400 : i32 to vector<16xi32>
        %add3A_402 = arith.addi %add3A_401, %iota3A : vector<16xi32>
        %and3A_403 = arith.constant 127 : i32
        %and3A_404 = vector.broadcast %and3A_403 : i32 to vector<16xi32>
        %and3A_405 = arith.andi %add3A_402, %and3A_404 : vector<16xi32>
        %gather3A_406 = tpu.vector_load_idx %arg15[%add3A_251, %and3A_405] : memref<128x128xf32, #tpu.memory_space<vmem>>[vector<16xi32>, vector<16xi32>], vector<16xf32>,
        %gather3A_407 = tpu.vector_load_idx %arg16[%add3A_251, %and3A_405] : memref<128x128xf32, #tpu.memory_space<vmem>>[vector<16xi32>, vector<16xi32>], vector<16xf32>,
        %mul3A_408 = arith.mulf %gather3A_406, %gather3A_407 : vector<16xf32>
        %add3A_409 = arith.addf %add3A_398, %mul3A_408 : vector<16xf32>
        %add3A_410 = arith.constant 7 : i32
        %add3A_411 = arith.addi %mul3A_333, %add3A_410 : i32
        %add3A_412 = vector.broadcast %add3A_411 : i32 to vector<16xi32>
        %add3A_413 = arith.addi %add3A_412, %iota3A : vector<16xi32>
        %and3A_414 = arith.constant 127 : i32
        %and3A_415 = vector.broadcast %and3A_414 : i32 to vector<16xi32>
        %and3A_416 = arith.andi %add3A_413, %and3A_415 : vector<16xi32>
        %gather3A_417 = tpu.vector_load_idx %arg15[%add3A_251, %and3A_416] : memref<128x128xf32, #tpu.memory_space<vmem>>[vector<16xi32>, vector<16xi32>], vector<16xf32>,
        %gather3A_418 = tpu.vector_load_idx %arg16[%add3A_251, %and3A_416] : memref<128x128xf32, #tpu.memory_space<vmem>>[vector<16xi32>, vector<16xi32>], vector<16xf32>,
        %mul3A_419 = arith.mulf %gather3A_417, %gather3A_418 : vector<16xf32>
        %add3A_420 = arith.addf %add3A_409, %mul3A_419 : vector<16xf32>
        scf.yield %add3A_420 : vector<16xf32>
      }
      %scan3A_259 = arith.constant 16 : i32
      %get3A = arith.constant 2 : i32
      %get3A_260 = arith.index_cast %get3A : i32 to index
      %get3A_261 = arith.index_cast %mul3A_249 : i32 to index
      %get3A_262 = tpu.vector_load %arg13[%get3A_260, %get3A_261] {strides = array<i32>} : memref<4x128xf32, #tpu.memory_space<vmem>>, vector<16xf32>,
      %get3A_263 = arith.constant 2 : i32
      %get3A_264 = arith.index_cast %get3A_263 : i32 to index
      %get3A_265 = arith.index_cast %mul3A_249 : i32 to index
      %get3A_266 = tpu.vector_load %arg14[%get3A_264, %get3A_265] {strides = array<i32>} : memref<4x128xf32, #tpu.memory_space<vmem>>, vector<16xf32>,
      %add3A_267 = arith.constant 256 : i32
      %add3A_268 = arith.addi %add3A_267, %mul3A_249 : i32
      %get3A_269 = arith.index_cast %add3A_268 : i32 to index
      %get3A_270 = tpu.vector_load %arg12[%get3A_269] {strides = array<i32>} : memref<512xf32, #tpu.memory_space<vmem>>, vector<16xf32>,
      %bitcast_convert_type3A = tpu.bitcast %get3A_270 : vector<16xf32> -> vector<16xi32>
      %shift_right_logical3A = arith.constant 23 : i32
      %shift_right_logical3A_271 = vector.broadcast %shift_right_logical3A : i32 to vector<16xi32>
      %shift_right_logical3A_272 = arith.shrui %bitcast_convert_type3A, %shift_right_logical3A_271 : vector<16xi32>
      %sub3A = arith.constant 127 : i32
      %sub3A_273 = vector.broadcast %sub3A : i32 to vector<16xi32>
      %sub3A_274 = arith.subi %shift_right_logical3A_272, %sub3A_273 : vector<16xi32>
      %and3A = arith.constant 8388607 : i32
      %and3A_275 = vector.broadcast %and3A : i32 to vector<16xi32>
      %and3A_276 = arith.andi %bitcast_convert_type3A, %and3A_275 : vector<16xi32>
      %or3A = arith.constant 1065353216 : i32
      %or3A_277 = vector.broadcast %or3A : i32 to vector<16xi32>
      %or3A_278 = arith.ori %and3A_276, %or3A_277 : vector<16xi32>
      %bitcast_convert_type3A_279 = tpu.bitcast %or3A_278 : vector<16xi32> -> vector<16xf32>
      %gt3A = arith.constant 1.41421354 : f32
      %gt3A_280 = vector.broadcast %gt3A : f32 to vector<16xf32>
      %gt3A_281 = arith.cmpf ogt, %bitcast_convert_type3A_279, %gt3A_280 : vector<16xf32>
      %mul3A_282 = arith.constant 5.000000e-01 : f32
      %mul3A_283 = vector.broadcast %mul3A_282 : f32 to vector<16xf32>
      %mul3A_284 = arith.mulf %bitcast_convert_type3A_279, %mul3A_283 : vector<16xf32>
      %select_n3A = arith.select %gt3A_281, %mul3A_284, %bitcast_convert_type3A_279 : vector<16xi1>, vector<16xf32>
      %convert_element_type3A = arith.sitofp %sub3A_274 : vector<16xi32> to vector<16xf32>
      %jit3A = arith.constant 1.000000e+00 : f32
      %jit3A_285 = arith.constant 0.000000e+00 : f32
      %broadcast_in_dim3A_286 = vector.broadcast %jit3A : f32 to vector<16xf32>
      %broadcast_in_dim3A_287 = vector.broadcast %jit3A_285 : f32 to vector<16xf32>
      %select_n3A_288 = arith.select %gt3A_281, %broadcast_in_dim3A_286, %broadcast_in_dim3A_287 : vector<16xi1>, vector<16xf32>
      %add3A_289 = arith.addf %convert_element_type3A, %select_n3A_288 : vector<16xf32>
      %sub3A_290 = arith.constant 1.000000e+00 : f32
      %sub3A_291 = vector.broadcast %sub3A_290 : f32 to vector<16xf32>
      %sub3A_292 = arith.subf %select_n3A, %sub3A_291 : vector<16xf32>
      %add3A_293 = arith.constant 1.000000e+00 : f32
      %add3A_294 = vector.broadcast %add3A_293 : f32 to vector<16xf32>
      %add3A_295 = arith.addf %select_n3A, %add3A_294 : vector<16xf32>
      %div3A = arith.divf %sub3A_292, %add3A_295 : vector<16xf32>
      %mul3A_296 = arith.mulf %div3A, %div3A : vector<16xf32>
      %mul3A_297 = arith.constant 0.285714298 : f32
      %mul3A_298 = vector.broadcast %mul3A_297 : f32 to vector<16xf32>
      %mul3A_299 = arith.mulf %mul3A_296, %mul3A_298 : vector<16xf32>
      %add3A_300 = arith.constant 4.000000e-01 : f32
      %add3A_301 = vector.broadcast %add3A_300 : f32 to vector<16xf32>
      %add3A_302 = arith.addf %add3A_301, %mul3A_299 : vector<16xf32>
      %mul3A_303 = arith.mulf %mul3A_296, %add3A_302 : vector<16xf32>
      %add3A_304 = arith.constant 0.666666686 : f32
      %add3A_305 = vector.broadcast %add3A_304 : f32 to vector<16xf32>
      %add3A_306 = arith.addf %add3A_305, %mul3A_303 : vector<16xf32>
      %mul3A_307 = arith.mulf %mul3A_296, %add3A_306 : vector<16xf32>
      %add3A_308 = arith.constant 2.000000e+00 : f32
      %add3A_309 = vector.broadcast %add3A_308 : f32 to vector<16xf32>
      %add3A_310 = arith.addf %add3A_309, %mul3A_307 : vector<16xf32>
      %mul3A_311 = arith.mulf %div3A, %add3A_310 : vector<16xf32>
      %mul3A_312 = arith.constant 0.693147182 : f32
      %mul3A_313 = vector.broadcast %mul3A_312 : f32 to vector<16xf32>
      %mul3A_314 = arith.mulf %add3A_289, %mul3A_313 : vector<16xf32>
      %add3A_315 = arith.addf %mul3A_314, %mul3A_311 : vector<16xf32>
      %mul3A_316 = arith.constant 7.500000e-01 : f32
      %mul3A_317 = vector.broadcast %mul3A_316 : f32 to vector<16xf32>
      %mul3A_318 = arith.mulf %mul3A_317, %add3A_315 : vector<16xf32>
      %sub3A_319 = arith.constant 3.45387769 : f32
      %sub3A_320 = vector.broadcast %sub3A_319 : f32 to vector<16xf32>
      %sub3A_321 = arith.subf %mul3A_318, %sub3A_320 : vector<16xf32>
      %exp3A = math.exp %sub3A_321 : vector<16xf32>
      %min3A = arith.constant 1.000000e+00 : f32
      %min3A_322 = vector.broadcast %min3A : f32 to vector<16xf32>
      %min3A_323 = arith.minimumf %exp3A, %min3A_322 : vector<16xf32>
      %add3A_324 = arith.addf %scan3A_258, %get3A_262 : vector<16xf32>
      %add3A_325 = arith.addf %add3A_324, %get3A_266 : vector<16xf32>
      %sub3A_326 = arith.subf %add3A_325, %add3A_315 : vector<16xf32>
      %mul3A_327 = arith.mulf %min3A_323, %sub3A_326 : vector<16xf32>
      %mul3A_328 = arith.mulf %mul3A_327, %sub3A_326 : vector<16xf32>
      %add3A_329 = arith.addf %scan3A_247, %mul3A_328 : vector<16xf32>
      scf.yield %add3A_329 : vector<16xf32>
    }
    %scan3A_228 = arith.constant 8 : i32
    %dma_wait3A_229 = arith.constant 384 : i32
    %dma_wait3A_230 = tpu.memref_slice %arg10[%dma_wait3A_229] : memref<512xi32, #tpu.memory_space<vmem>> -> memref<128xi32, #tpu.memory_space<vmem>>
    %dma_wait3A_231 = arith.constant 0 : i32
    %dma_wait3A_232 = arith.constant 0 : i32
    %dma_wait3A_233 = tpu.memref_slice %arg5[%dma_wait3A_231, %dma_wait3A_232] : memref<100000x128xf32, #tpu.memory_space<hbm>> -> memref<100000x128xf32, #tpu.memory_space<hbm>>
    tpu.wait_indirect_dma semaphore(%arg23 : memref<!tpu.dma_semaphore, #tpu.memory_space<semaphore_mem>>) src(%dma_wait3A_233 : memref<100000x128xf32, #tpu.memory_space<hbm>>) dst(%arg17 : memref<128x128xf32, #tpu.memory_space<vmem>>)
    %dma_wait3A_234 = arith.constant 384 : i32
    %dma_wait3A_235 = tpu.memref_slice %arg11[%dma_wait3A_234] : memref<512xi32, #tpu.memory_space<vmem>> -> memref<128xi32, #tpu.memory_space<vmem>>
    %dma_wait3A_236 = arith.constant 0 : i32
    %dma_wait3A_237 = arith.constant 0 : i32
    %dma_wait3A_238 = tpu.memref_slice %arg6[%dma_wait3A_236, %dma_wait3A_237] : memref<100000x128xf32, #tpu.memory_space<hbm>> -> memref<100000x128xf32, #tpu.memory_space<hbm>>
    tpu.wait_indirect_dma semaphore(%arg23 : memref<!tpu.dma_semaphore, #tpu.memory_space<semaphore_mem>>) src(%dma_wait3A_238 : memref<100000x128xf32, #tpu.memory_space<hbm>>) dst(%arg18 : memref<128x128xf32, #tpu.memory_space<vmem>>)
    %scan3A_239 = arith.constant 0 : i32
    %scan3A_240 = arith.constant 8 : i32
    %scan3A_241 = arith.addi %scan3A_239, %scan3A_240 : i32
    %scan3A_242 = arith.constant 1 : i32
    %scan3A_243 = scf.for %scan3A_246 = %scan3A_239 to %scan3A_241 step %scan3A_242 iter_args(%scan3A_247 = %scan3A_227) -> (vector<16xf32>)  : i32 {
      %mul3A_248 = arith.constant 16 : i32
      %mul3A_249 = arith.muli %scan3A_246, %mul3A_248 : i32
      %add3A_250 = vector.broadcast %mul3A_249 : i32 to vector<16xi32>
      %add3A_251 = arith.addi %add3A_250, %iota3A : vector<16xi32>
      %broadcast_in_dim3A_252 = arith.constant 0.000000e+00 : f32
      %broadcast_in_dim3A_253 = vector.broadcast %broadcast_in_dim3A_252 : f32 to vector<16xf32>
      %scan3A_254 = arith.constant 0 : i32
      %scan3A_255 = arith.constant 16 : i32
      %scan3A_256 = arith.addi %scan3A_254, %scan3A_255 : i32
      %scan3A_257 = arith.constant 1 : i32
      %scan3A_258 = scf.for %scan3A_330 = %scan3A_254 to %scan3A_256 step %scan3A_257 iter_args(%scan3A_331 = %broadcast_in_dim3A_253) -> (vector<16xf32>)  : i32 {
        %mul3A_332 = arith.constant 8 : i32
        %mul3A_333 = arith.muli %scan3A_330, %mul3A_332 : i32
        %add3A_334 = arith.constant 0 : i32
        %add3A_335 = arith.addi %mul3A_333, %add3A_334 : i32
        %add3A_336 = vector.broadcast %add3A_335 : i32 to vector<16xi32>
        %add3A_337 = arith.addi %add3A_336, %iota3A : vector<16xi32>
        %and3A_338 = arith.constant 127 : i32
        %and3A_339 = vector.broadcast %and3A_338 : i32 to vector<16xi32>
        %and3A_340 = arith.andi %add3A_337, %and3A_339 : vector<16xi32>
        %gather3A = tpu.vector_load_idx %arg17[%add3A_251, %and3A_340] : memref<128x128xf32, #tpu.memory_space<vmem>>[vector<16xi32>, vector<16xi32>], vector<16xf32>,
        %gather3A_341 = tpu.vector_load_idx %arg18[%add3A_251, %and3A_340] : memref<128x128xf32, #tpu.memory_space<vmem>>[vector<16xi32>, vector<16xi32>], vector<16xf32>,
        %mul3A_342 = arith.mulf %gather3A, %gather3A_341 : vector<16xf32>
        %add3A_343 = arith.addf %scan3A_331, %mul3A_342 : vector<16xf32>
        %add3A_344 = arith.constant 1 : i32
        %add3A_345 = arith.addi %mul3A_333, %add3A_344 : i32
        %add3A_346 = vector.broadcast %add3A_345 : i32 to vector<16xi32>
        %add3A_347 = arith.addi %add3A_346, %iota3A : vector<16xi32>
        %and3A_348 = arith.constant 127 : i32
        %and3A_349 = vector.broadcast %and3A_348 : i32 to vector<16xi32>
        %and3A_350 = arith.andi %add3A_347, %and3A_349 : vector<16xi32>
        %gather3A_351 = tpu.vector_load_idx %arg17[%add3A_251, %and3A_350] : memref<128x128xf32, #tpu.memory_space<vmem>>[vector<16xi32>, vector<16xi32>], vector<16xf32>,
        %gather3A_352 = tpu.vector_load_idx %arg18[%add3A_251, %and3A_350] : memref<128x128xf32, #tpu.memory_space<vmem>>[vector<16xi32>, vector<16xi32>], vector<16xf32>,
        %mul3A_353 = arith.mulf %gather3A_351, %gather3A_352 : vector<16xf32>
        %add3A_354 = arith.addf %add3A_343, %mul3A_353 : vector<16xf32>
        %add3A_355 = arith.constant 2 : i32
        %add3A_356 = arith.addi %mul3A_333, %add3A_355 : i32
        %add3A_357 = vector.broadcast %add3A_356 : i32 to vector<16xi32>
        %add3A_358 = arith.addi %add3A_357, %iota3A : vector<16xi32>
        %and3A_359 = arith.constant 127 : i32
        %and3A_360 = vector.broadcast %and3A_359 : i32 to vector<16xi32>
        %and3A_361 = arith.andi %add3A_358, %and3A_360 : vector<16xi32>
        %gather3A_362 = tpu.vector_load_idx %arg17[%add3A_251, %and3A_361] : memref<128x128xf32, #tpu.memory_space<vmem>>[vector<16xi32>, vector<16xi32>], vector<16xf32>,
        %gather3A_363 = tpu.vector_load_idx %arg18[%add3A_251, %and3A_361] : memref<128x128xf32, #tpu.memory_space<vmem>>[vector<16xi32>, vector<16xi32>], vector<16xf32>,
        %mul3A_364 = arith.mulf %gather3A_362, %gather3A_363 : vector<16xf32>
        %add3A_365 = arith.addf %add3A_354, %mul3A_364 : vector<16xf32>
        %add3A_366 = arith.constant 3 : i32
        %add3A_367 = arith.addi %mul3A_333, %add3A_366 : i32
        %add3A_368 = vector.broadcast %add3A_367 : i32 to vector<16xi32>
        %add3A_369 = arith.addi %add3A_368, %iota3A : vector<16xi32>
        %and3A_370 = arith.constant 127 : i32
        %and3A_371 = vector.broadcast %and3A_370 : i32 to vector<16xi32>
        %and3A_372 = arith.andi %add3A_369, %and3A_371 : vector<16xi32>
        %gather3A_373 = tpu.vector_load_idx %arg17[%add3A_251, %and3A_372] : memref<128x128xf32, #tpu.memory_space<vmem>>[vector<16xi32>, vector<16xi32>], vector<16xf32>,
        %gather3A_374 = tpu.vector_load_idx %arg18[%add3A_251, %and3A_372] : memref<128x128xf32, #tpu.memory_space<vmem>>[vector<16xi32>, vector<16xi32>], vector<16xf32>,
        %mul3A_375 = arith.mulf %gather3A_373, %gather3A_374 : vector<16xf32>
        %add3A_376 = arith.addf %add3A_365, %mul3A_375 : vector<16xf32>
        %add3A_377 = arith.constant 4 : i32
        %add3A_378 = arith.addi %mul3A_333, %add3A_377 : i32
        %add3A_379 = vector.broadcast %add3A_378 : i32 to vector<16xi32>
        %add3A_380 = arith.addi %add3A_379, %iota3A : vector<16xi32>
        %and3A_381 = arith.constant 127 : i32
        %and3A_382 = vector.broadcast %and3A_381 : i32 to vector<16xi32>
        %and3A_383 = arith.andi %add3A_380, %and3A_382 : vector<16xi32>
        %gather3A_384 = tpu.vector_load_idx %arg17[%add3A_251, %and3A_383] : memref<128x128xf32, #tpu.memory_space<vmem>>[vector<16xi32>, vector<16xi32>], vector<16xf32>,
        %gather3A_385 = tpu.vector_load_idx %arg18[%add3A_251, %and3A_383] : memref<128x128xf32, #tpu.memory_space<vmem>>[vector<16xi32>, vector<16xi32>], vector<16xf32>,
        %mul3A_386 = arith.mulf %gather3A_384, %gather3A_385 : vector<16xf32>
        %add3A_387 = arith.addf %add3A_376, %mul3A_386 : vector<16xf32>
        %add3A_388 = arith.constant 5 : i32
        %add3A_389 = arith.addi %mul3A_333, %add3A_388 : i32
        %add3A_390 = vector.broadcast %add3A_389 : i32 to vector<16xi32>
        %add3A_391 = arith.addi %add3A_390, %iota3A : vector<16xi32>
        %and3A_392 = arith.constant 127 : i32
        %and3A_393 = vector.broadcast %and3A_392 : i32 to vector<16xi32>
        %and3A_394 = arith.andi %add3A_391, %and3A_393 : vector<16xi32>
        %gather3A_395 = tpu.vector_load_idx %arg17[%add3A_251, %and3A_394] : memref<128x128xf32, #tpu.memory_space<vmem>>[vector<16xi32>, vector<16xi32>], vector<16xf32>,
        %gather3A_396 = tpu.vector_load_idx %arg18[%add3A_251, %and3A_394] : memref<128x128xf32, #tpu.memory_space<vmem>>[vector<16xi32>, vector<16xi32>], vector<16xf32>,
        %mul3A_397 = arith.mulf %gather3A_395, %gather3A_396 : vector<16xf32>
        %add3A_398 = arith.addf %add3A_387, %mul3A_397 : vector<16xf32>
        %add3A_399 = arith.constant 6 : i32
        %add3A_400 = arith.addi %mul3A_333, %add3A_399 : i32
        %add3A_401 = vector.broadcast %add3A_400 : i32 to vector<16xi32>
        %add3A_402 = arith.addi %add3A_401, %iota3A : vector<16xi32>
        %and3A_403 = arith.constant 127 : i32
        %and3A_404 = vector.broadcast %and3A_403 : i32 to vector<16xi32>
        %and3A_405 = arith.andi %add3A_402, %and3A_404 : vector<16xi32>
        %gather3A_406 = tpu.vector_load_idx %arg17[%add3A_251, %and3A_405] : memref<128x128xf32, #tpu.memory_space<vmem>>[vector<16xi32>, vector<16xi32>], vector<16xf32>,
        %gather3A_407 = tpu.vector_load_idx %arg18[%add3A_251, %and3A_405] : memref<128x128xf32, #tpu.memory_space<vmem>>[vector<16xi32>, vector<16xi32>], vector<16xf32>,
        %mul3A_408 = arith.mulf %gather3A_406, %gather3A_407 : vector<16xf32>
        %add3A_409 = arith.addf %add3A_398, %mul3A_408 : vector<16xf32>
        %add3A_410 = arith.constant 7 : i32
        %add3A_411 = arith.addi %mul3A_333, %add3A_410 : i32
        %add3A_412 = vector.broadcast %add3A_411 : i32 to vector<16xi32>
        %add3A_413 = arith.addi %add3A_412, %iota3A : vector<16xi32>
        %and3A_414 = arith.constant 127 : i32
        %and3A_415 = vector.broadcast %and3A_414 : i32 to vector<16xi32>
        %and3A_416 = arith.andi %add3A_413, %and3A_415 : vector<16xi32>
        %gather3A_417 = tpu.vector_load_idx %arg17[%add3A_251, %and3A_416] : memref<128x128xf32, #tpu.memory_space<vmem>>[vector<16xi32>, vector<16xi32>], vector<16xf32>,
        %gather3A_418 = tpu.vector_load_idx %arg18[%add3A_251, %and3A_416] : memref<128x128xf32, #tpu.memory_space<vmem>>[vector<16xi32>, vector<16xi32>], vector<16xf32>,
        %mul3A_419 = arith.mulf %gather3A_417, %gather3A_418 : vector<16xf32>
        %add3A_420 = arith.addf %add3A_409, %mul3A_419 : vector<16xf32>
        scf.yield %add3A_420 : vector<16xf32>
      }
      %scan3A_259 = arith.constant 16 : i32
      %get3A = arith.constant 3 : i32
      %get3A_260 = arith.index_cast %get3A : i32 to index
      %get3A_261 = arith.index_cast %mul3A_249 : i32 to index
      %get3A_262 = tpu.vector_load %arg13[%get3A_260, %get3A_261] {strides = array<i32>} : memref<4x128xf32, #tpu.memory_space<vmem>>, vector<16xf32>,
      %get3A_263 = arith.constant 3 : i32
      %get3A_264 = arith.index_cast %get3A_263 : i32 to index
      %get3A_265 = arith.index_cast %mul3A_249 : i32 to index
      %get3A_266 = tpu.vector_load %arg14[%get3A_264, %get3A_265] {strides = array<i32>} : memref<4x128xf32, #tpu.memory_space<vmem>>, vector<16xf32>,
      %add3A_267 = arith.constant 384 : i32
      %add3A_268 = arith.addi %add3A_267, %mul3A_249 : i32
      %get3A_269 = arith.index_cast %add3A_268 : i32 to index
      %get3A_270 = tpu.vector_load %arg12[%get3A_269] {strides = array<i32>} : memref<512xf32, #tpu.memory_space<vmem>>, vector<16xf32>,
      %bitcast_convert_type3A = tpu.bitcast %get3A_270 : vector<16xf32> -> vector<16xi32>
      %shift_right_logical3A = arith.constant 23 : i32
      %shift_right_logical3A_271 = vector.broadcast %shift_right_logical3A : i32 to vector<16xi32>
      %shift_right_logical3A_272 = arith.shrui %bitcast_convert_type3A, %shift_right_logical3A_271 : vector<16xi32>
      %sub3A = arith.constant 127 : i32
      %sub3A_273 = vector.broadcast %sub3A : i32 to vector<16xi32>
      %sub3A_274 = arith.subi %shift_right_logical3A_272, %sub3A_273 : vector<16xi32>
      %and3A = arith.constant 8388607 : i32
      %and3A_275 = vector.broadcast %and3A : i32 to vector<16xi32>
      %and3A_276 = arith.andi %bitcast_convert_type3A, %and3A_275 : vector<16xi32>
      %or3A = arith.constant 1065353216 : i32
      %or3A_277 = vector.broadcast %or3A : i32 to vector<16xi32>
      %or3A_278 = arith.ori %and3A_276, %or3A_277 : vector<16xi32>
      %bitcast_convert_type3A_279 = tpu.bitcast %or3A_278 : vector<16xi32> -> vector<16xf32>
      %gt3A = arith.constant 1.41421354 : f32
      %gt3A_280 = vector.broadcast %gt3A : f32 to vector<16xf32>
      %gt3A_281 = arith.cmpf ogt, %bitcast_convert_type3A_279, %gt3A_280 : vector<16xf32>
      %mul3A_282 = arith.constant 5.000000e-01 : f32
      %mul3A_283 = vector.broadcast %mul3A_282 : f32 to vector<16xf32>
      %mul3A_284 = arith.mulf %bitcast_convert_type3A_279, %mul3A_283 : vector<16xf32>
      %select_n3A = arith.select %gt3A_281, %mul3A_284, %bitcast_convert_type3A_279 : vector<16xi1>, vector<16xf32>
      %convert_element_type3A = arith.sitofp %sub3A_274 : vector<16xi32> to vector<16xf32>
      %jit3A = arith.constant 1.000000e+00 : f32
      %jit3A_285 = arith.constant 0.000000e+00 : f32
      %broadcast_in_dim3A_286 = vector.broadcast %jit3A : f32 to vector<16xf32>
      %broadcast_in_dim3A_287 = vector.broadcast %jit3A_285 : f32 to vector<16xf32>
      %select_n3A_288 = arith.select %gt3A_281, %broadcast_in_dim3A_286, %broadcast_in_dim3A_287 : vector<16xi1>, vector<16xf32>
      %add3A_289 = arith.addf %convert_element_type3A, %select_n3A_288 : vector<16xf32>
      %sub3A_290 = arith.constant 1.000000e+00 : f32
      %sub3A_291 = vector.broadcast %sub3A_290 : f32 to vector<16xf32>
      %sub3A_292 = arith.subf %select_n3A, %sub3A_291 : vector<16xf32>
      %add3A_293 = arith.constant 1.000000e+00 : f32
      %add3A_294 = vector.broadcast %add3A_293 : f32 to vector<16xf32>
      %add3A_295 = arith.addf %select_n3A, %add3A_294 : vector<16xf32>
      %div3A = arith.divf %sub3A_292, %add3A_295 : vector<16xf32>
      %mul3A_296 = arith.mulf %div3A, %div3A : vector<16xf32>
      %mul3A_297 = arith.constant 0.285714298 : f32
      %mul3A_298 = vector.broadcast %mul3A_297 : f32 to vector<16xf32>
      %mul3A_299 = arith.mulf %mul3A_296, %mul3A_298 : vector<16xf32>
      %add3A_300 = arith.constant 4.000000e-01 : f32
      %add3A_301 = vector.broadcast %add3A_300 : f32 to vector<16xf32>
      %add3A_302 = arith.addf %add3A_301, %mul3A_299 : vector<16xf32>
      %mul3A_303 = arith.mulf %mul3A_296, %add3A_302 : vector<16xf32>
      %add3A_304 = arith.constant 0.666666686 : f32
      %add3A_305 = vector.broadcast %add3A_304 : f32 to vector<16xf32>
      %add3A_306 = arith.addf %add3A_305, %mul3A_303 : vector<16xf32>
      %mul3A_307 = arith.mulf %mul3A_296, %add3A_306 : vector<16xf32>
      %add3A_308 = arith.constant 2.000000e+00 : f32
      %add3A_309 = vector.broadcast %add3A_308 : f32 to vector<16xf32>
      %add3A_310 = arith.addf %add3A_309, %mul3A_307 : vector<16xf32>
      %mul3A_311 = arith.mulf %div3A, %add3A_310 : vector<16xf32>
      %mul3A_312 = arith.constant 0.693147182 : f32
      %mul3A_313 = vector.broadcast %mul3A_312 : f32 to vector<16xf32>
      %mul3A_314 = arith.mulf %add3A_289, %mul3A_313 : vector<16xf32>
      %add3A_315 = arith.addf %mul3A_314, %mul3A_311 : vector<16xf32>
      %mul3A_316 = arith.constant 7.500000e-01 : f32
      %mul3A_317 = vector.broadcast %mul3A_316 : f32 to vector<16xf32>
      %mul3A_318 = arith.mulf %mul3A_317, %add3A_315 : vector<16xf32>
      %sub3A_319 = arith.constant 3.45387769 : f32
      %sub3A_320 = vector.broadcast %sub3A_319 : f32 to vector<16xf32>
      %sub3A_321 = arith.subf %mul3A_318, %sub3A_320 : vector<16xf32>
      %exp3A = math.exp %sub3A_321 : vector<16xf32>
      %min3A = arith.constant 1.000000e+00 : f32
      %min3A_322 = vector.broadcast %min3A : f32 to vector<16xf32>
      %min3A_323 = arith.minimumf %exp3A, %min3A_322 : vector<16xf32>
      %add3A_324 = arith.addf %scan3A_258, %get3A_262 : vector<16xf32>
      %add3A_325 = arith.addf %add3A_324, %get3A_266 : vector<16xf32>
      %sub3A_326 = arith.subf %add3A_325, %add3A_315 : vector<16xf32>
      %mul3A_327 = arith.mulf %min3A_323, %sub3A_326 : vector<16xf32>
      %mul3A_328 = arith.mulf %mul3A_327, %sub3A_326 : vector<16xf32>
      %add3A_329 = arith.addf %scan3A_247, %mul3A_328 : vector<16xf32>
      scf.yield %add3A_329 : vector<16xf32>
    }
    %scan3A_244 = arith.constant 8 : i32
    %swap3A = arith.constant 0 : index
    %swap3A_245 = tpu.vector_load %arg19[%swap3A] {strides = array<i32>} : memref<16xf32, #tpu.memory_space<vmem>>, vector<16xf32>,
    tpu.vector_store %arg19[%swap3A], %scan3A_243 {strides = array<i32>} : memref<16xf32, #tpu.memory_space<vmem>>, vector<16xf32>,
    "tpu.region"() ({
      %run_scoped3A = tpu.sem_alloc : memref<!tpu.dma_semaphore, #tpu.memory_space<semaphore_mem>>
      %dma_start3A_246 = arith.constant 0 : i32
      %dma_start3A_247 = tpu.memref_slice %arg9[%add3A, %dma_start3A_246] : memref<32x16xf32, #tpu.memory_space<hbm>> -> memref<1x16xf32, #tpu.memory_space<hbm>>
      %dma_start3A_248 = tpu.memref_squeeze %dma_start3A_247 : memref<1x16xf32, #tpu.memory_space<hbm>> -> memref<16xf32, #tpu.memory_space<hbm>>
      %dma_start3A_249 = arith.constant 0 : i32
      %dma_start3A_250 = tpu.memref_slice %arg9[%add3A, %dma_start3A_249] : memref<32x16xf32, #tpu.memory_space<hbm>> -> memref<1x16xf32, #tpu.memory_space<hbm>>
      %dma_start3A_251 = tpu.memref_squeeze %dma_start3A_250 : memref<1x16xf32, #tpu.memory_space<hbm>> -> memref<16xf32, #tpu.memory_space<hbm>>
      tpu.enqueue_dma source(%arg19 : memref<16xf32, #tpu.memory_space<vmem>>) target(%dma_start3A_251 : memref<16xf32, #tpu.memory_space<hbm>>) target_semaphore(%run_scoped3A : memref<!tpu.dma_semaphore, #tpu.memory_space<semaphore_mem>>)
      %dma_wait3A_252 = arith.constant 0 : i32
      %dma_wait3A_253 = tpu.memref_slice %arg9[%add3A, %dma_wait3A_252] : memref<32x16xf32, #tpu.memory_space<hbm>> -> memref<1x16xf32, #tpu.memory_space<hbm>>
      %dma_wait3A_254 = tpu.memref_squeeze %dma_wait3A_253 : memref<1x16xf32, #tpu.memory_space<hbm>> -> memref<16xf32, #tpu.memory_space<hbm>>
      %dma_wait3A_255 = arith.constant 0 : i32
      %dma_wait3A_256 = tpu.memref_slice %arg9[%add3A, %dma_wait3A_255] : memref<32x16xf32, #tpu.memory_space<hbm>> -> memref<1x16xf32, #tpu.memory_space<hbm>>
      %dma_wait3A_257 = tpu.memref_squeeze %dma_wait3A_256 : memref<1x16xf32, #tpu.memory_space<hbm>> -> memref<16xf32, #tpu.memory_space<hbm>>
      tpu.wait_dma2 semaphore(%run_scoped3A : memref<!tpu.dma_semaphore, #tpu.memory_space<semaphore_mem>>) src(%arg19 : memref<16xf32, #tpu.memory_space<vmem>>) dst(%dma_wait3A_257 : memref<16xf32, #tpu.memory_space<hbm>>)
      tpu.yield
    }) : () -> ()
    return
  }
}

</mosaic_0001>

<sc_bundles>
// kernel: kernel.3.cloned.1.call-start
scs
__scs_entry_jumppad:
0x0: {  	(pc) =	sbr.rel $0x88, $3  }
0x1: {  	(tag) =	ssettag $0x0;
	lr =	simm.s32 $0x1  }
0x2: {  	[smem:$0x3F9A] =	sst lr;
	_ =	strace $0xD0000000  }
0x3: {  	_ = 	snop  }
0x4: {  	_ = 	snop  }
0x5: {  	_ = 	snop  }
0x6: {  	_ = 	snop  }
0x7: {  	_ = 	snop  }
__scs_overlays_trampoline_lowered:
0x8: {  	[smem:$0x3FA9] =	sst s0  }
0x9: {  	[smem:$0x3FAA] =	sst s1  }
0xa: {  	[smem:$0x3FAB] =	sst s2  }
0xb: {  	[smem:$0x3FAC] =	sst s3  }
0xc: {  	[smem:$0x3FAD] =	sst s4  }
0xd: {  	[smem:$0x3FAE] =	sst s5  }
0xe: {  	[smem:$0x3FAF] =	sst s6  }
0xf: {  	[smem:$0x3FB0] =	sst s7  }
0x10: {  	[smem:$0x3FB1] =	sst s8  }
0x11: {  	[smem:$0x3FB2] =	sst s9;
	s0 =	simm.s32 @!p0 $0x0  }
0x12: {  	s1 =	sld [smem:$0x3F98];
	s0 =	simm.s32 @p0 $0x1  }
0x13: {  	[smem:$0x3FB3] =	sst s0;
	s0 =	simm.s32 @!p1 $0x0  }
0x14: {  	s2 =	sld [smem:$0x3F97];
	s0 =	simm.s32 @p1 $0x1  }
0x15: {  	[smem:$0x3FB4] =	sst s0;
	s0 =	simm.s32 @!p2 $0x0  }
0x16: {  	s3 =	sld [smem:$0x3FDB];
	s0 =	simm.s32 @p2 $0x1  }
0x17: {  	s4 =	simm.s32 $0x1BF5;
	[smem:$0x3FB6] =	sst s0  }
0x18: {  	s0 =	sld [smem:$0x3F99];
	_ =	swait.ge [sflag:s4], $0x0  }
0x19: {  	s7 =	sld [smem:$0x3F9A]  }
0x1a: {  	s8 =	sadd.s32 $0xFFFFE003, lr  }
0x1b: {  	s9 =	sadd.s32 $0xFFFFFEF7, lr;
	s5 =	simm.s32 $0xFFFFFFFF;
	p2 =	slt.u32 s8, $0xFFFFF086  }
0x1c: {  	p1 =	slt.u32 s9, $0xF7A;
	s5 =	simm.s32 @!p2 $0x0  }
0x1d: {  	s5 =	simm.s32 @p1 $0x1;
	p0 =	seq.s32 s7, s2  }
0x1e: {  	s7 =	smul.u32 @!p0 $0xF7A, s2;
	p2 =	seq.s32 @!p0 s5, $0x0  }
0x1f: {  	s9 =	smul.u32 $0xF7A, s1;
	s8 =	simm.s32 @!p0 $0x1BF5;
	p2 =	por !p2, p0  }
0x20: {  	[sflag:s8] =	ssyncset.s32 @!p0 $0xFFFFF086;
	s6 =	sadd.s32 @!p0 s3, s7;
	s7 =	simm.s32 @!p0 $0x108  }
0x21: {  	s3 =	sadd.s32 s3, s9;
	s6 =	sadd.s32 @!p0 $0x88, s6;
	s7 =	simm.s32 @p2 $0x1082  }
0x22: {  	[simem:s7], [sflag:s8] =	dma.local @!p0 [hbm:s6], $0xF7A  }
0x23: {  	s9 =	sor.u32 $0xD0000000, s2;
	s6 =	simm.s32 $0x108;
	_ =	swait.ge @!p0 [sflag:s8], $0x0  }
0x24: {  	s3 =	sadd.s32 $0x88, s3;
	s6 =	simm.s32 @!p1 $0x1082;
	[sflag:s4] =	ssyncset.s32 $0xFFFFF086  }
0x25: {  	[simem:s6], [sflag:s4] =	dma.local [hbm:s3], $0xF7A  }
0x26: {  	[smem:$0x3F9A] =	sst s1;
	(tag) =	ssettag s2;
	_ =	strace s9  }
0x27: {  	s1 =	sld [smem:$0x3FAA]  }
0x28: {  	s2 =	sld [smem:$0x3FAB]  }
0x29: {  	s4 =	sld [smem:$0x3FAD]  }
0x2a: {  	p0 =	seq.s32 s5, $0x0;
	s5 =	sld [smem:$0x3FAE]  }
0x2b: {  	s6 =	sld [smem:$0x3FAF]  }
0x2c: {  	s7 =	sld [smem:$0x3FB0]  }
0x2d: {  	s3 =	simm.s32 $0x108;
	s8 =	sld [smem:$0x3FB1]  }
0x2e: {  	s3 =	simm.s32 @!p0 $0x1082;
	s9 =	sld [smem:$0x3FB2]  }
0x2f: {  	lr =	sadd.s32 s0, s3;
	s0 =	sld [smem:$0x3FA9]  }
0x30: {  	s3 =	sld [smem:$0x3FAC]  }
0x31: {  	[smem:$0x3FB5] =	sst s10  }
0x32: {  	s10 =	sld [smem:$0x3FB3];
	_ =	sdelay $0x3  }
0x33: {  	p0 =	seq.s32 s10, $0x1;
	s10 =	sld [smem:$0x3FB5];
	_ =	sdelay $0x3  }
0x34: {  	[smem:$0x3FB5] =	sst s10  }
0x35: {  	s10 =	sld [smem:$0x3FB4];
	_ =	sdelay $0x3  }
0x36: {  	p1 =	seq.s32 s10, $0x1;
	s10 =	sld [smem:$0x3FB5];
	_ =	sdelay $0x3  }
0x37: {  	[smem:$0x3FB5] =	sst s10  }
0x38: {  	s10 =	sld [smem:$0x3FB6]  }
0x39: {  	_ = 	snop;
	(pc) =	sbr.ind lr, $3  }
0x3a: {  	_ = 	snop  }
0x3b: {  	_ = 	snop  }
0x3c: {  	p2 =	seq.s32 s10, $0x1;
	s10 =	sld [smem:$0x3FB5]  }
0x3d: {  	_ =	shalt  }
0x3e: {  	_ =	shalt  }
0x3f: {  	_ =	shalt  }
0x40: {  	_ =	shalt  }
0x41: {  	_ =	shalt  }
0x42: {  	_ =	shalt  }
0x43: {  	_ =	shalt  }
0x44: {  	_ =	shalt  }
0x45: {  	_ =	shalt  }
0x46: {  	_ =	shalt  }
0x47: {  	_ =	shalt  }
0x48: {  	_ =	shalt  }
0x49: {  	_ =	shalt  }
0x4a: {  	_ =	shalt  }
0x4b: {  	_ =	shalt  }
0x4c: {  	_ =	shalt  }
0x4d: {  	_ =	shalt  }
0x4e: {  	_ =	shalt  }
0x4f: {  	_ =	shalt  }
0x50: {  	_ =	shalt  }
0x51: {  	_ =	shalt  }
0x52: {  	_ =	shalt  }
0x53: {  	_ =	shalt  }
0x54: {  	_ =	shalt  }
0x55: {  	_ =	shalt  }
0x56: {  	_ =	shalt  }
0x57: {  	_ =	shalt  }
0x58: {  	_ =	shalt  }
0x59: {  	_ =	shalt  }
0x5a: {  	_ =	shalt  }
0x5b: {  	_ =	shalt  }
0x5c: {  	_ =	shalt  }
0x5d: {  	_ =	shalt  }
0x5e: {  	_ =	shalt  }
0x5f: {  	_ =	shalt  }
0x60: {  	_ =	shalt  }
0x61: {  	_ =	shalt  }
0x62: {  	_ =	shalt  }
0x63: {  	_ =	shalt  }
0x64: {  	_ =	shalt  }
0x65: {  	_ =	shalt  }
0x66: {  	_ =	shalt  }
0x67: {  	_ =	shalt  }
0x68: {  	_ =	shalt  }
0x69: {  	_ =	shalt  }
0x6a: {  	_ =	shalt  }
0x6b: {  	_ =	shalt  }
0x6c: {  	_ =	shalt  }
0x6d: {  	_ =	shalt  }
0x6e: {  	_ =	shalt  }
0x6f: {  	_ =	shalt  }
0x70: {  	_ =	shalt  }
0x71: {  	_ =	shalt  }
0x72: {  	_ =	shalt  }
0x73: {  	_ =	shalt  }
0x74: {  	_ =	shalt  }
0x75: {  	_ =	shalt  }
0x76: {  	_ =	shalt  }
0x77: {  	_ =	shalt  }
0x78: {  	_ =	shalt  }
0x79: {  	_ =	shalt  }
0x7a: {  	_ =	shalt  }
0x7b: {  	_ =	shalt  }
0x7c: {  	_ =	shalt  }
0x7d: {  	_ =	shalt  }
0x7e: {  	_ =	shalt  }
0x7f: {  	_ =	shalt  }
0x80: {  	_ =	shalt  }
0x81: {  	_ =	shalt  }
0x82: {  	_ =	shalt  }
0x83: {  	_ =	shalt  }
0x84: {  	_ =	shalt  }
0x85: {  	_ =	shalt  }
0x86: {  	_ =	shalt  }
0x87: {  	_ =	shalt  }
.Lfunc_end0:
.L_simem_size_0:
called_computation_lowered:
.L_overlay_start_0:
0x88: {  	s2 =	sld [smem:$0x3FD9]  }
0x89: {  	s3 =	sld [smem:$0x3FFE];
	_ =	sdelay $0x1  }
0x8a: {  	s1 =	srdreg.scid  }
0x8b: {  	s0 =	sand.u32 $0x1, s1  }
0x8c: {  	s17 =	sshll.u32 s0, $0xA;
	s2 =	sadd.s32 s3, s2  }
0x8d: {  	s2 =	sadd.s32 s2, s17  }
0x8e: {  	[smem:$0x3FC1] =	sst s2  }
0x8f: {  	_ = 	snop  }
0x90: {  	s2 =	sld [smem:$0x3FC9]  }
0x91: {  	s18 =	sld [smem:$0x3FC8]  }
0x92: {  	s4 =	sld [smem:$0x3FC7]  }
0x93: {  	s5 =	sld [smem:$0x3FC6]  }
0x94: {  	s6 =	sld [smem:$0x3FC5]  }
0x95: {  	s7 =	sld [smem:$0x3FC4]  }
0x96: {  	s8 =	sld [smem:$0x3FC3];
	(tm) =	ssettm $0x1  }
0x97: {  	s9 =	sld [smem:$0x3FFB];
	_ =	sdelay $0x3  }
0x98: {  	_ =	strace s9  }
0x99: {  	s9 =	sld [smem:$0x3FFC];
	_ =	sdelay $0x3  }
0x9a: {  	_ =	strace s9  }
0x9b: {  	s9 =	sld [smem:$0x3FFD];
	_ =	sdelay $0x3  }
0x9c: {  	_ =	strace s9  }
0x9d: {  	_ =	strace $0x8FFFFFFF  }
0x9e: {  	s19 =	sld [smem:$0x3FDB];
	_ =	sdelay $0x1  }
0x9f: {  	s10 =	simm.s32 $_scs_section_size  }
0xa0: {  	s11 =	simm.s32 $_size__tile_overlayer_lowered;
	s12 =	simm.s32 $_tile_overlayer_lowered  }
0xa1: {  	s22 =	simm.s32 $0x1BFF;
	s21 =	sshll.u32 s12, $0x1;
	s9 =	sadd.s32 s10, s19  }
0xa2: {  	s13 =	simm.s32 $0x0;
	s20 =	sshll.u32 s11, $0x1;
	s11 =	sadd.s32 s21, s9  }
0xa3: {  	[timem:s13], [sflag:s22] =	dma.local [hbm:s11], s20  }
0xa4: {  	_ =	swait.ge [sflag:s22], s20  }
0xa5: {  	s10 =	ssub.s32 $0x0, s20;
	[sflag:s22] =	ssyncset.done $0x0  }
0xa6: {  	[sflag:s22] =	ssyncadd.s32 s10;
	_ =	sdelay $0x1  }
0xa7: {  	s23 =	simm.s32 $0x1B8B  }
0xa8: {  	_ =	swait.ge [sflag:s23], $0x1  }
0xa9: {  	[sflag:s23] =	ssyncset.done $0x0  }
0xaa: {  	s25 =	simm.s32 $0x1B8E;
	s24 =	sld [smem:$0x3FFE];
	[sflag:s23] =	ssyncadd.s32 $0xFFFFFFFF  }
0xab: {  	s26 =	simm.s32 $execute0_lowered;
	[smem:$0x3FD2] =	sst s25  }
0xac: {  	s11 =	sshll.u32 s26, $0x1;
	_ =	strace $0x80000046;
	[dreg:$0x1] =	wrdreg $0xFFFFFFFF  }
0xad: {  	s28 =	simm.s32 $_size_execute0_lowered;
	s9 =	sadd.s32 s9, s11;
	[dreg:$0x0] =	wrdreg $0x0  }
0xae: {  	s11 =	sshll.u32 s28, $0x1;
	[dreg:$0x2] =	wrdreg s9  }
0xaf: {  	[dreg:$0x3] =	wrdreg s11  }
0xb0: {  	[dreg:$0x4] =	wrdreg $0xC0  }
0xb1: {  	_ =	task [dreg:s13], $0x5FFFF  }
0xb2: {  	[dreg:$0x1] =	wrdreg $0xFFFFFFFF  }
0xb3: {  	[dreg:$0x0] =	wrdreg $0x60  }
0xb4: {  	[dreg:$0x2] =	wrdreg s2  }
0xb5: {  	[dreg:$0x3] =	wrdreg s18  }
0xb6: {  	[dreg:$0x4] =	wrdreg s4  }
0xb7: {  	[dreg:$0x5] =	wrdreg s5  }
0xb8: {  	[dreg:$0x6] =	wrdreg s6  }
0xb9: {  	[dreg:$0x7] =	wrdreg s7  }
0xba: {  	[dreg:$0x8] =	wrdreg s8  }
0xbb: {  	[dreg:$0x9] =	wrdreg s24  }
0xbc: {  	[dreg:$0xa] =	wrdreg $0x9  }
0xbd: {  	_ =	task.clear_ibuf [dreg:s13], $0xBFFFF;
	_ =	strace $0x90000046  }
0xbe: {  	s29 =	simm.s32 $0x9;
	_ =	strace $0x80000048  }
0xbf: {  	_ =	swait.ge [sflag:s29], $0x1  }
0xc0: {  	[sflag:s29] =	ssyncadd.s32 $0xFFFFFFFF  }
0xc1: {  	_ =	strace $0x90000048  }
0xc2: {  	_ =	sfence  }
0xc3: {  	s30 =	sld [smem:$0x0];
	_ =	sdelay $0x2  }
0xc4: {  	s31 =	sshll.u32 s1, $0xD;
	s1 =	sshrl.u32 s1, $0x2  }
0xc5: {  	s3 =	sand.u32 $0x4000, s31;
	s1 =	sadd.s32 s1, s30  }
0xc6: {  	s0 =	sor.u32 s3, s0;
	s1 =	sshll.u32 s1, $0x11  }
0xc7: {  	s0 =	sor.u32 s1, s0  }
0xc8: {  	s0 =	sadd.s32 $0x8F2B, s0  }
0xc9: {  	[sflag:s0] =	ssyncadd.remote.s32 $0x1  }
0xca: {  	_ =	sfence.sel $0xFFFF  }
0xcb: {  	[dreg:$0x0] =	wrdreg $0xFFFFFFFF;
	(pc) =	sbr.abs _section_cstart, $3  }
0xcc: {  	[dreg:$0x1] =	wrdreg $0xFFFFFFFF  }
0xcd: {  	_ =	task.clear_ibuf [dreg:s13], $0x2FFFF;
	_ =	strace $0x9FFFFFFF  }
0xce: {  	(tm) =	ssettm $0x7FFFFFFF  }
0xcf: {  	_ =	shalt  }
tec
execute0_lowered:
.L_overlay_start_1:
0x0: {  	(tag) =	ssettag $0x1  }
0x1: {  	s0 =	rddreg [dreg:$0x0]  }
0x2: {  	s5 =	rddreg [dreg:$0x1]  }
0x3: {  	s7 =	rddreg [dreg:$0x2]  }
0x4: {  	s1 =	rddreg [dreg:$0x3]  }
0x5: {  	s2 =	rddreg [dreg:$0x4]  }
0x6: {  	s3 =	rddreg [dreg:$0x5]  }
0x7: {  	s4 =	rddreg [dreg:$0x6]  }
0x8: {  	s9 =	rddreg [dreg:$0x7];
	s6 =	simm.s32 $0x0;
	s8 =	srdreg.scid  }
0x9: {  	s12 =	stileid.u32;
	s14 =	simm.s32 $0x1;
	s15 =	simm.s32 $0x80  }
0xa: {  	s16 =	simm.s32 $0xA00;
	s17 =	simm.s32 $0x4A00;
	s23 =	simm.s32 $0x100  }
0xb: {  	s25 =	simm.s32 $0x300;
	s28 =	simm.s32 $0x180;
	s30 =	simm.s32 $0x380  }
0xc: {  	s18 =	simm.s32 $0x3;
	s19 =	simm.s32 $0x4;
	s22 =	simm.s32 $0x5  }
0xd: {  	s24 =	simm.s32 $0x0;
	[smem:$0x7FF] =	sst s6;
	s8 =	sand.u32 $0x1, s8  }
0xe: {  	s10 =	ssub.s32 $0x2, s8;
	s8 =	sshll.u32 s8, $0x4;
	_ =	strace $0x80000047  }
0xf: {  	s11 =	sshrl.u32 s10, $0x1;
	s8 =	sor.u32 s12, s8;
	s12 =	sshll.u32 s12, $0x4  }
0x10: {  	s11 =	ssub.s32 s10, s11;
	s29 =	sshll.u32 s8, $0x6;
	s13 =	sshll.u32 s8, $0x4  }
0x11: {  	s12 =	sand.u32 $0x70, s12;
	s7 =	sadd.s32 s7, s29;
	s8 =	sadd.s32 s0, s29  }
0x12: {  	s31 =	sand.u32 $0x180, s13;
	s12 =	sadd.s32 s9, s12;
	s9 =	sadd.s32 s5, s29  }
0x13: {  	v0 =	vlaneseq.u32;
	s11 =	smax.u32 s11, $0x1;
	s13 =	simm.s32 $0x200;
	s0 =	simm.s32 $0x2  }
0x14: {  	v2 =	vimm.f32 $0.0e+00;
	v1 =	vmul.u32 $0x80, v0;
	s5 =	simm.s32 $0x8A00;
	s10 =	sadd.s32 s31, s12;
	s12 =	simm.s32 $0xCA00  }
.LBB2_1:
0x15: {  	s20 =	simm.s32 $0x400  }
0x16: {  	[tilespmem:s20], [sflag:$0x1] =	stream.linear.gather [hbm4b:s7+s6], $0x200, $0x38;
	[tilespmem:$0x10A80] =	vst v63  }
0x17: {  	_ = 	snop  }
0x18: {  	[tilespmem:s6], [sflag:$0x1] =	stream.linear.gather [hbm4b:s8+s6], $0x200, $0x38;
	[tilespmem:$0x10A80] =	vst v63  }
0x19: {  	_ = 	snop  }
0x1a: {  	[tilespmem:s13], [sflag:$0x1] =	stream.linear.gather [hbm4b:s9+s6], $0x200, $0x38;
	[tilespmem:$0x10A80] =	vst v63  }
0x1b: {  	_ =	swait.ge [sflag:s14], $0x200  }
0x1c: {  	[sflag:s14] =	ssyncset.done $0x0  }
0x1d: {  	[sflag:s14] =	ssyncadd.s32 $0xFFFFFE00  }
0x1e: {  	_ =	swait.ge [sflag:s14], $0x200  }
0x1f: {  	[sflag:s14] =	ssyncset.done $0x0  }
0x20: {  	[sflag:s14] =	ssyncadd.s32 $0xFFFFFE00  }
0x21: {  	_ =	swait.ge [sflag:s14], $0x200  }
0x22: {  	[sflag:s14] =	ssyncset.done $0x0  }
0x23: {  	[sflag:s14] =	ssyncadd.s32 $0xFFFFFE00  }
0x24: {  	[tilespmem:s16], [sflag:$0x3] =	stream.indirect.gather [hbm4b:s1+s15], $0x80, s6, s15, $0xb8;
	[tilespmem:$0x10A80] =	vst v63  }
0x25: {  	_ = 	snop  }
0x26: {  	[tilespmem:s17], [sflag:$0x3] =	stream.indirect.gather [hbm4b:s2+s15], $0x80, s13, s15, $0xb8;
	[tilespmem:$0x10A80] =	vst v63  }
0x27: {  	s21 =	simm.s32 $0x600  }
0x28: {  	[tilespmem:s21], [sflag:$0x2] =	stream.indirect.gather [hbm4b:s3+s15], $0x1, s6, s15, $0xb8;
	[tilespmem:$0x10A80] =	vst v63  }
0x29: {  	s26 =	simm.s32 $0x800  }
0x2a: {  	[tilespmem:s26], [sflag:$0x2] =	stream.indirect.gather [hbm4b:s4+s15], $0x1, s13, s15, $0xb8;
	[tilespmem:$0x10A80] =	vst v63  }
0x2b: {  	s29 =	simm.s32 $0x680  }
0x2c: {  	[tilespmem:s29], [sflag:$0x2] =	stream.indirect.gather [hbm4b:s3+s15], $0x1, s15, s15, $0xb8;
	[tilespmem:$0x10A80] =	vst v63  }
0x2d: {  	s20 =	simm.s32 $0x280;
	s21 =	simm.s32 $0x880  }
0x2e: {  	[tilespmem:s21], [sflag:$0x2] =	stream.indirect.gather [hbm4b:s4+s15], $0x1, s20, s15, $0xb8;
	[tilespmem:$0x10A80] =	vst v63  }
0x2f: {  	s31 =	simm.s32 $0x700  }
0x30: {  	[tilespmem:s31], [sflag:$0x2] =	stream.indirect.gather [hbm4b:s3+s15], $0x1, s23, s15, $0xb8;
	[tilespmem:$0x10A80] =	vst v63  }
0x31: {  	s26 =	simm.s32 $0x900  }
0x32: {  	[tilespmem:s26], [sflag:$0x2] =	stream.indirect.gather [hbm4b:s4+s15], $0x1, s25, s15, $0xb8;
	[tilespmem:$0x10A80] =	vst v63  }
0x33: {  	s29 =	simm.s32 $0x780  }
0x34: {  	[tilespmem:s29], [sflag:$0x2] =	stream.indirect.gather [hbm4b:s3+s15], $0x1, s28, s15, $0xb8;
	[tilespmem:$0x10A80] =	vst v63  }
0x35: {  	s31 =	simm.s32 $0x980  }
0x36: {  	[tilespmem:s31], [sflag:$0x2] =	stream.indirect.gather [hbm4b:s4+s15], $0x1, s30, s15, $0xb8;
	[tilespmem:$0x10A80] =	vst v63  }
0x37: {  	_ =	swait.ge [sflag:s0], $0x80  }
0x38: {  	[sflag:s0] =	ssyncset.done $0x0  }
0x39: {  	[sflag:s0] =	ssyncadd.s32 $0xFFFFFF80  }
0x3a: {  	_ =	swait.ge [sflag:s0], $0x80  }
0x3b: {  	[sflag:s0] =	ssyncset.done $0x0  }
0x3c: {  	[sflag:s0] =	ssyncadd.s32 $0xFFFFFF80  }
0x3d: {  	_ =	swait.ge [sflag:s0], $0x80  }
0x3e: {  	[sflag:s0] =	ssyncset.done $0x0  }
0x3f: {  	[sflag:s0] =	ssyncadd.s32 $0xFFFFFF80  }
0x40: {  	_ =	swait.ge [sflag:s0], $0x80  }
0x41: {  	[sflag:s0] =	ssyncset.done $0x0  }
0x42: {  	[sflag:s0] =	ssyncadd.s32 $0xFFFFFF80  }
0x43: {  	_ =	swait.ge [sflag:s0], $0x80  }
0x44: {  	[sflag:s0] =	ssyncset.done $0x0  }
0x45: {  	[sflag:s0] =	ssyncadd.s32 $0xFFFFFF80  }
0x46: {  	_ =	swait.ge [sflag:s0], $0x80  }
0x47: {  	[sflag:s0] =	ssyncset.done $0x0  }
0x48: {  	[sflag:s0] =	ssyncadd.s32 $0xFFFFFF80  }
0x49: {  	_ =	swait.ge [sflag:s0], $0x80  }
0x4a: {  	[sflag:s0] =	ssyncset.done $0x0  }
0x4b: {  	[sflag:s0] =	ssyncadd.s32 $0xFFFFFF80  }
0x4c: {  	_ =	swait.ge [sflag:s0], $0x80  }
0x4d: {  	[sflag:s0] =	ssyncset.done $0x0  }
0x4e: {  	[sflag:s0] =	ssyncadd.s32 $0xFFFFFF80  }
0x4f: {  	[tilespmem:s5], [sflag:$0x4] =	stream.indirect.gather [hbm4b:s1+s15], $0x80, s15, s15, $0xb8;
	[tilespmem:$0x10A80] =	vst v63  }
0x50: {  	_ = 	snop  }
0x51: {  	[tilespmem:s12], [sflag:$0x4] =	stream.indirect.gather [hbm4b:s2+s15], $0x80, s20, s15, $0xb8;
	[tilespmem:$0x10A80] =	vst v63  }
0x52: {  	_ =	swait.ge [sflag:s18], $0x4000  }
0x53: {  	[sflag:s18] =	ssyncset.done $0x0  }
0x54: {  	[sflag:s18] =	ssyncadd.s32 $0xFFFFC000  }
0x55: {  	_ =	swait.ge [sflag:s18], $0x4000  }
0x56: {  	[sflag:s18] =	ssyncset.done $0x0  }
0x57: {  	v3 =	vimm.f32 $0.0e+00;
	s26 =	simm.s32 $0x0;
	[sflag:s18] =	ssyncadd.s32 $0xFFFFC000  }
.LBB2_2:
0x58: {  	s29 =	sshll.u32 s26, $0x4  }
0x59: {  	s20 =	simm.s32 $0x0;
	v4 =	vmov s29  }
0x5a: {  	v5 =	vadd.s32 s20, v0;
	v4 =	vshll.u32 v4, $0x7  }
0x5b: {  	s21 =	simm.s32 $0x1;
	v5 =	vand.u32 $0x7F, v5;
	v4 =	vor.u32 v1, v4  }
0x5c: {  	v6 =	vadd.s32 s21, v0;
	v5 =	vor.u32 v4, v5  }
0x5d: {  	s21 =	simm.s32 $0x2;
	v6 =	vand.u32 $0x7F, v6  }
0x5e: {  	v7 =	vadd.s32 s21, v0;
	v6 =	vor.u32 v4, v6  }
0x5f: {  	s21 =	simm.s32 $0x3;
	v7 =	vand.u32 $0x7F, v7  }
0x60: {  	v8 =	vadd.s32 s21, v0;
	v7 =	vor.u32 v4, v7  }
0x61: {  	s21 =	simm.s32 $0x4;
	v8 =	vand.u32 $0x7F, v8;
	v10 =	vld.idx.msk [tilespmem:v5+s16+$0x0], $0xffff  }
0x62: {  	v9 =	vadd.s32 s21, v0;
	v12 =	vor.u32 v4, v8;
	v11 =	vld.idx.msk [tilespmem:v5+s17+$0x0], $0xffff  }
0x63: {  	s21 =	simm.s32 $0x5;
	v13 =	vld.idx.msk [tilespmem:v6+s16+$0x0], $0xffff;
	v5 =	vand.u32 $0x7F, v9  }
0x64: {  	v16 =	vld.idx.msk [tilespmem:v6+s17+$0x0], $0xffff;
	v6 =	vadd.s32 s21, v0;
	v17 =	vor.u32 v4, v5  }
0x65: {  	s20 =	simm.s32 $0x6;
	v8 =	vld.idx.msk [tilespmem:v7+s17+$0x0], $0xffff;
	v6 =	vand.u32 $0x7F, v6  }
0x66: {  	v5 =	vld.idx.msk [tilespmem:v7+s16+$0x0], $0xffff;
	v7 =	vadd.s32 s20, v0;
	v9 =	vor.u32 v4, v6  }
0x67: {  	s21 =	simm.s32 $0x7;
	v6 =	vld.idx.msk [tilespmem:v12+s16+$0x0], $0xffff;
	v7 =	vand.u32 $0x7F, v7  }
0x68: {  	v18 =	vadd.s32 s21, v0;
	s21 =	simm.s32 $0x8;
	v19 =	vmul.f32 v11, v10;
	v11 =	vld.idx.msk [tilespmem:v12+s17+$0x0], $0xffff;
	v10 =	vor.u32 v4, v7  }
0x69: {  	v15 =	vimm.f32 $0.0e+00;
	v14 =	vadd.s32 s21, v0;
	v12 =	vand.u32 $0x7F, v18;
	v7 =	vld.idx.msk [tilespmem:v17+s16+$0x0], $0xffff  }
0x6a: {  	s31 =	simm.s32 $0xF;
	s20 =	simm.s32 $0x17;
	s21 =	simm.s32 $0x9;
	v16 =	vmul.f32 v16, v13;
	v13 =	vld.idx.msk [tilespmem:v17+s17+$0x0], $0xffff;
	v12 =	vor.u32 v4, v12;
	v15 =	vadd.f32 v19, v15  }
.LBB2_3:
0x6b: {  	p0 =	sne.s32 s20, $0x7F;
	v14 =	vand.u32 $0x7F, v14;
	v17 =	vadd.s32 s21, v0;
	v18 =	vld.idx.msk [tilespmem:v9+s16+$0x0], $0xffff  }
0x6c: {  	s21 =	sadd.s32 $0xFFFFFFFB, s31;
	v5 =	vmul.f32 v8, v5;
	v14 =	vor.u32 v4, v14;
	v15 =	vadd.f32 v16, v15;
	v8 =	vld.idx.msk [tilespmem:v9+s17+$0x0], $0xffff  }
0x6d: {  	v9 =	vand.u32 $0x7F, v17;
	v16 =	vadd.s32 s21, v0;
	v17 =	vld.idx.msk [tilespmem:v10+s16+$0x0], $0xffff  }
0x6e: {  	s21 =	sadd.s32 $0xFFFFFFFC, s31;
	v9 =	vor.u32 v4, v9;
	v6 =	vmul.f32 v11, v6;
	v5 =	vadd.f32 v5, v15;
	v10 =	vld.idx.msk [tilespmem:v10+s17+$0x0], $0xffff  }
0x6f: {  	v11 =	vand.u32 $0x7F, v16;
	v15 =	vadd.s32 s21, v0;
	v16 =	vld.idx.msk [tilespmem:v12+s16+$0x0], $0xffff  }
0x70: {  	v11 =	vor.u32 v4, v11;
	s21 =	sadd.s32 $0xFFFFFFFD, s31;
	v5 =	vadd.f32 v6, v5;
	v6 =	vmul.f32 v13, v7;
	v7 =	vld.idx.msk [tilespmem:v12+s17+$0x0], $0xffff  }
0x71: {  	v13 =	vand.u32 $0x7F, v15;
	v15 =	vadd.s32 s21, v0;
	v12 =	vld.idx.msk [tilespmem:v14+s16+$0x0], $0xffff  }
0x72: {  	s21 =	sadd.s32 $0xFFFFFFFE, s31;
	v13 =	vor.u32 v4, v13;
	v14 =	vld.idx.msk [tilespmem:v14+s17+$0x0], $0xffff;
	v5 =	vadd.f32 v6, v5;
	v6 =	vmul.f32 v8, v18  }
0x73: {  	v8 =	vand.u32 $0x7F, v15;
	v15 =	vadd.s32 s21, v0;
	v18 =	vld.idx.msk [tilespmem:v9+s16+$0x0], $0xffff  }
0x74: {  	s21 =	sadd.s32 $0xFFFFFFFF, s31;
	v20 =	vor.u32 v4, v8;
	v10 =	vmul.f32 v10, v17;
	v19 =	vld.idx.msk [tilespmem:v9+s17+$0x0], $0xffff;
	v6 =	vadd.f32 v6, v5  }
0x75: {  	v9 =	vand.u32 $0x7F, v15;
	v15 =	vadd.s32 s21, v0;
	v5 =	vld.idx.msk [tilespmem:v11+s16+$0x0], $0xffff  }
.Ltmp0:
0x76: {  	v9 =	vor.u32 v4, v9;
	v7 =	vmul.f32 v7, v16;
	v8 =	vld.idx.msk [tilespmem:v11+s17+$0x0], $0xffff;
	v17 =	vadd.f32 v10, v6;
	(pc) =	sbr.rel @p0 .LBB2_3-.Ltmp0, $4  }
0x77: {  	v10 =	vand.u32 $0x7F, v15;
	v15 =	vadd.s32 s31, v0;
	s31 =	smov.u32 s20;
	v6 =	vld.idx.msk [tilespmem:v13+s16+$0x0], $0xffff  }
0x78: {  	s21 =	sadd.s32 $0xFFFFFFF9, s20;
	v12 =	vmul.f32 v14, v12;
	v10 =	vor.u32 v4, v10;
	v11 =	vld.idx.msk [tilespmem:v13+s17+$0x0], $0xffff;
	v13 =	vadd.f32 v7, v17  }
0x79: {  	v14 =	vadd.s32 s21, v0;
	v17 =	vand.u32 $0x7F, v15;
	v7 =	vld.idx.msk [tilespmem:v20+s16+$0x0], $0xffff  }
0x7a: {  	s20 =	sadd.s32 $0x8, s20;
	s21 =	sadd.s32 $0xFFFFFFFA, s31;
	v16 =	vmul.f32 v19, v18;
	v15 =	vadd.f32 v12, v13;
	v13 =	vld.idx.msk [tilespmem:v20+s17+$0x0], $0xffff;
	v12 =	vor.u32 v4, v17  }
0x7b: {  	v17 =	vld [tilespmem:s29+$0x400];
	_ =	sdelay $0x4  }
0x7c: {  	v18 =	vand.u32 $0x7FFFFF, v17  }
0x7d: {  	v18 =	vor.u32 $0x3F800000, v18  }
0x7e: {  	v19 =	vmul.f32 $5.000000000e-01, v18  }
0x7f: {  	vm0 =	vgt.f32 v18, $1.414213540e+00  }
0x80: {  	v18 =	vsel vm0, v19, v18  }
0x81: {  	v19 =	vadd.f32 $1.000000000e+00, v18;
	_ =	sdelay $0x1  }
0x82: {  	(erf) = vrcp.f32 v19;
	_ =	sdelay $0x7  }
0x83: {  	v25 =	vadd.f32 $-1.000000000e+00, v18  }
0x84: {  	v14 =	vand.u32 $0x7F, v14;
	v5 =	vmul.f32 v8, v5;
	v28 =	vadd.s32 s21, v0;
	v27 =	vpop (erf)  }
0x85: {  	v24 =	vld.idx.msk [tilespmem:v9+s16+$0x0], $0xffff;
	s20 =	sadd.s32 $0xFFFFFFFB, s31;
	s21 =	sadd.s32 $0xFFFFFFFC, s31;
	v49 =	vadd.s32 s31, v0;
	v15 =	vadd.f32 v16, v15;
	v8 =	vmul.f32 v27, v25  }
0x86: {  	v26 =	vld.idx.msk [tilespmem:v9+s17+$0x0], $0xffff;
	v14 =	vor.u32 v4, v14;
	v33 =	vadd.s32 s20, v0;
	v39 =	vadd.s32 s21, v0  }
0x87: {  	v29 =	vld.idx.msk [tilespmem:v10+s16+$0x0], $0xffff;
	s21 =	sadd.s32 $0xFFFFFFFD, s31;
	v6 =	vmul.f32 v11, v6;
	v11 =	vand.u32 $0x7F, v28;
	v32 =	vmul.f32 v8, v8  }
0x88: {  	v30 =	vld.idx.msk [tilespmem:v10+s17+$0x0], $0xffff;
	v40 =	vadd.s32 s21, v0;
	s21 =	sadd.s32 $0xFFFFFFFE, s31;
	v5 =	vadd.f32 v5, v15;
	v11 =	vor.u32 v4, v11  }
0x89: {  	v34 =	vld.idx.msk [tilespmem:v12+s16+$0x0], $0xffff;
	v15 =	vand.u32 $0x7F, v40;
	v43 =	vadd.s32 s21, v0;
	v37 =	vmul.f32 $2.857142980e-01, v32  }
0x8a: {  	v35 =	vld.idx.msk [tilespmem:v12+s17+$0x0], $0xffff;
	v31 =	vmul.f32 v13, v7;
	v13 =	vand.u32 $0x7F, v33;
	v5 =	vadd.f32 v6, v5  }
0x8b: {  	v15 =	vor.u32 v4, v15;
	v13 =	vor.u32 v4, v13;
	v9 =	vadd.f32 $4.000000060e-01, v37  }
0x8c: {  	s21 =	sadd.s32 $0xFFFFFFFF, s31;
	v36 =	vmul.f32 v26, v24;
	v6 =	vand.u32 $0x7F, v39;
	v38 =	vld.idx.msk [tilespmem:v14+s16+$0x0], $0xffff;
	v5 =	vadd.f32 v31, v5  }
0x8d: {  	v46 =	vadd.s32 s21, v0;
	v14 =	vld.idx.msk [tilespmem:v14+s17+$0x0], $0xffff;
	v6 =	vor.u32 v4, v6;
	v9 =	vmul.f32 v9, v32  }
0x8e: {  	v10 =	vmul.f32 v30, v29;
	v17 =	vshrl.u32 v17, $0x17;
	v42 =	vld.idx.msk [tilespmem:v11+s16+$0x0], $0xffff;
	v5 =	vadd.f32 v36, v5  }
0x8f: {  	v41 =	vmul.f32 v35, v34;
	v44 =	vadd.s32 $0xFFFFFF81, v17;
	v11 =	vld.idx.msk [tilespmem:v11+s17+$0x0], $0xffff;
	v9 =	vadd.f32 $6.666666860e-01, v9  }
0x90: {  	v16 =	vcvt.s32.f32 v44;
	v45 =	vld.idx.msk [tilespmem:v13+s16+$0x0], $0xffff;
	v18 =	vand.u32 $0x7F, v43;
	v5 =	vadd.f32 v10, v5  }
0x91: {  	v47 =	vsel vm0, $0x3F800000, v2;
	v13 =	vld.idx.msk [tilespmem:v13+s17+$0x0], $0xffff;
	v18 =	vor.u32 v4, v18;
	v7 =	vmul.f32 v9, v32  }
0x92: {  	v14 =	vmul.f32 v14, v38;
	v48 =	vld.idx.msk [tilespmem:v6+s16+$0x0], $0xffff;
	v5 =	vadd.f32 v41, v5;
	v9 =	vand.u32 $0x7F, v46  }
0x93: {  	v16 =	vadd.f32 v16, v47;
	v6 =	vld.idx.msk [tilespmem:v6+s17+$0x0], $0xffff;
	v9 =	vor.u32 v4, v9;
	v7 =	vadd.f32 $2.000000000e+00, v7  }
0x94: {  	v51 =	vand.u32 $0x7F, v49;
	v50 =	vld.idx.msk [tilespmem:v15+s16+$0x0], $0xffff;
	v11 =	vmul.f32 v11, v42;
	v5 =	vadd.f32 v14, v5  }
0x95: {  	v15 =	vld.idx.msk [tilespmem:v15+s17+$0x0], $0xffff;
	v52 =	vmul.f32 $6.931471820e-01, v16;
	v4 =	vor.u32 v4, v51;
	v7 =	vmul.f32 v7, v8  }
0x96: {  	v54 =	vmul.f32 v13, v45;
	v53 =	vld.idx.msk [tilespmem:v18+s16+$0x0], $0xffff;
	v5 =	vadd.f32 v11, v5  }
0x97: {  	v55 =	vld.idx.msk [tilespmem:v18+s17+$0x0], $0xffff;
	v7 =	vadd.f32 v7, v52  }
0x98: {  	v6 =	vmul.f32 v6, v48;
	v5 =	vadd.f32 v54, v5;
	v56 =	vld.idx.msk [tilespmem:v9+s16+$0x0], $0xffff  }
0x99: {  	v9 =	vld.idx.msk [tilespmem:v9+s17+$0x0], $0xffff;
	v57 =	vmul.f32 $7.500000000e-01, v7  }
0x9a: {  	v59 =	vmul.f32 v15, v50;
	v5 =	vadd.f32 v6, v5;
	v58 =	vld.idx.msk [tilespmem:v4+s16+$0x0], $0xffff  }
0x9b: {  	v4 =	vld.idx.msk [tilespmem:v4+s17+$0x0], $0xffff;
	v10 =	vadd.f32 $-3.453877690e+00, v57  }
0x9c: {  	v60 =	vmul.f32 v55, v53;
	v5 =	vadd.f32 v59, v5  }
0x9d: {  	v10 =	vmul.f32 $1.442695020e+00, v10  }
0x9e: {  	v5 =	vadd.f32 v60, v5;
	v61 =	vmul.f32 v9, v56  }
0x9f: {  	v62 =	vld [tilespmem:s29+$0x600];
	(erf) = vpow2.f32 v10  }
0xa0: {  	v4 =	vmul.f32 v4, v58;
	v5 =	vadd.f32 v61, v5  }
0xa1: {  	v63 =	vld [tilespmem:s29+$0x800]  }
0xa2: {  	v4 =	vadd.f32 v4, v5;
	_ =	sdelay $0x1  }
0xa3: {  	v4 =	vadd.f32 v62, v4;
	_ =	sdelay $0x1  }
0xa4: {  	v4 =	vadd.f32 v63, v4;
	_ =	sdelay $0x1  }
0xa5: {  	s26 =	sadd.s32 $0x1, s26;
	v4 =	vsub.f32 v4, v7;
	v5 =	vpop (erf)  }
0xa6: {  	p0 =	sne.s32 s26, $0x8;
	v5 =	vmin.f32 v5, $1.000000000e+00  }
.Ltmp1:
0xa7: {  	v5 =	vmul.f32 v5, v4;
	(pc) =	sbr.rel @p0 .LBB2_2-.Ltmp1, $3  }
0xa8: {  	_ = 	snop  }
0xa9: {  	v4 =	vmul.f32 v5, v4;
	_ =	sdelay $0x1  }
0xaa: {  	v3 =	vadd.f32 v4, v3  }
0xab: {  	[tilespmem:s16], [sflag:$0x3] =	stream.indirect.gather [hbm4b:s1+s15], $0x80, s23, s15, $0xb8;
	[tilespmem:$0x10A80] =	vst v63  }
0xac: {  	_ = 	snop  }
0xad: {  	[tilespmem:s17], [sflag:$0x3] =	stream.indirect.gather [hbm4b:s2+s15], $0x80, s25, s15, $0xb8;
	[tilespmem:$0x10A80] =	vst v63  }
0xae: {  	_ =	swait.ge [sflag:s19], $0x4000  }
0xaf: {  	[sflag:s19] =	ssyncset.done $0x0  }
0xb0: {  	[sflag:s19] =	ssyncadd.s32 $0xFFFFC000  }
0xb1: {  	_ =	swait.ge [sflag:s19], $0x4000  }
0xb2: {  	[sflag:s19] =	ssyncset.done $0x0  }
0xb3: {  	s26 =	simm.s32 $0x0;
	[sflag:s19] =	ssyncadd.s32 $0xFFFFC000  }
.LBB2_6:
0xb4: {  	s29 =	sshll.u32 s26, $0x4  }
0xb5: {  	s20 =	simm.s32 $0x0;
	v4 =	vmov s29  }
0xb6: {  	v5 =	vadd.s32 s20, v0;
	v4 =	vshll.u32 v4, $0x7  }
0xb7: {  	s21 =	simm.s32 $0x1;
	v5 =	vand.u32 $0x7F, v5;
	v4 =	vor.u32 v1, v4  }
0xb8: {  	v6 =	vadd.s32 s21, v0;
	v5 =	vor.u32 v4, v5  }
0xb9: {  	s21 =	simm.s32 $0x2;
	v6 =	vand.u32 $0x7F, v6  }
0xba: {  	v7 =	vadd.s32 s21, v0;
	v6 =	vor.u32 v4, v6  }
0xbb: {  	s21 =	simm.s32 $0x3;
	v7 =	vand.u32 $0x7F, v7  }
0xbc: {  	v8 =	vadd.s32 s21, v0;
	v7 =	vor.u32 v4, v7  }
0xbd: {  	s21 =	simm.s32 $0x4;
	v8 =	vand.u32 $0x7F, v8;
	v10 =	vld.idx.msk [tilespmem:v5+s5+$0x0], $0xffff  }
0xbe: {  	v9 =	vadd.s32 s21, v0;
	v12 =	vor.u32 v4, v8;
	v11 =	vld.idx.msk [tilespmem:v5+s12+$0x0], $0xffff  }
0xbf: {  	s21 =	simm.s32 $0x5;
	v13 =	vld.idx.msk [tilespmem:v6+s5+$0x0], $0xffff;
	v5 =	vand.u32 $0x7F, v9  }
0xc0: {  	v16 =	vld.idx.msk [tilespmem:v6+s12+$0x0], $0xffff;
	v6 =	vadd.s32 s21, v0;
	v17 =	vor.u32 v4, v5  }
0xc1: {  	s20 =	simm.s32 $0x6;
	v8 =	vld.idx.msk [tilespmem:v7+s12+$0x0], $0xffff;
	v6 =	vand.u32 $0x7F, v6  }
0xc2: {  	v5 =	vld.idx.msk [tilespmem:v7+s5+$0x0], $0xffff;
	v7 =	vadd.s32 s20, v0;
	v9 =	vor.u32 v4, v6  }
0xc3: {  	s21 =	simm.s32 $0x7;
	v6 =	vld.idx.msk [tilespmem:v12+s5+$0x0], $0xffff;
	v7 =	vand.u32 $0x7F, v7  }
0xc4: {  	v18 =	vadd.s32 s21, v0;
	s21 =	simm.s32 $0x8;
	v19 =	vmul.f32 v11, v10;
	v11 =	vld.idx.msk [tilespmem:v12+s12+$0x0], $0xffff;
	v10 =	vor.u32 v4, v7  }
0xc5: {  	v15 =	vimm.f32 $0.0e+00;
	v14 =	vadd.s32 s21, v0;
	v12 =	vand.u32 $0x7F, v18;
	v7 =	vld.idx.msk [tilespmem:v17+s5+$0x0], $0xffff  }
0xc6: {  	s31 =	simm.s32 $0xF;
	s20 =	simm.s32 $0x17;
	s21 =	simm.s32 $0x9;
	v16 =	vmul.f32 v16, v13;
	v13 =	vld.idx.msk [tilespmem:v17+s12+$0x0], $0xffff;
	v12 =	vor.u32 v4, v12;
	v15 =	vadd.f32 v19, v15  }
.LBB2_7:
0xc7: {  	p0 =	sne.s32 s20, $0x7F;
	v14 =	vand.u32 $0x7F, v14;
	v17 =	vadd.s32 s21, v0;
	v18 =	vld.idx.msk [tilespmem:v9+s5+$0x0], $0xffff  }
0xc8: {  	s21 =	sadd.s32 $0xFFFFFFFB, s31;
	v5 =	vmul.f32 v8, v5;
	v14 =	vor.u32 v4, v14;
	v15 =	vadd.f32 v16, v15;
	v8 =	vld.idx.msk [tilespmem:v9+s12+$0x0], $0xffff  }
0xc9: {  	v9 =	vand.u32 $0x7F, v17;
	v16 =	vadd.s32 s21, v0;
	v17 =	vld.idx.msk [tilespmem:v10+s5+$0x0], $0xffff  }
0xca: {  	s21 =	sadd.s32 $0xFFFFFFFC, s31;
	v9 =	vor.u32 v4, v9;
	v6 =	vmul.f32 v11, v6;
	v5 =	vadd.f32 v5, v15;
	v10 =	vld.idx.msk [tilespmem:v10+s12+$0x0], $0xffff  }
0xcb: {  	v11 =	vand.u32 $0x7F, v16;
	v15 =	vadd.s32 s21, v0;
	v16 =	vld.idx.msk [tilespmem:v12+s5+$0x0], $0xffff  }
0xcc: {  	v11 =	vor.u32 v4, v11;
	s21 =	sadd.s32 $0xFFFFFFFD, s31;
	v5 =	vadd.f32 v6, v5;
	v6 =	vmul.f32 v13, v7;
	v7 =	vld.idx.msk [tilespmem:v12+s12+$0x0], $0xffff  }
0xcd: {  	v13 =	vand.u32 $0x7F, v15;
	v15 =	vadd.s32 s21, v0;
	v12 =	vld.idx.msk [tilespmem:v14+s5+$0x0], $0xffff  }
0xce: {  	s21 =	sadd.s32 $0xFFFFFFFE, s31;
	v13 =	vor.u32 v4, v13;
	v14 =	vld.idx.msk [tilespmem:v14+s12+$0x0], $0xffff;
	v5 =	vadd.f32 v6, v5;
	v6 =	vmul.f32 v8, v18  }
0xcf: {  	v8 =	vand.u32 $0x7F, v15;
	v15 =	vadd.s32 s21, v0;
	v18 =	vld.idx.msk [tilespmem:v9+s5+$0x0], $0xffff  }
0xd0: {  	s21 =	sadd.s32 $0xFFFFFFFF, s31;
	v20 =	vor.u32 v4, v8;
	v10 =	vmul.f32 v10, v17;
	v19 =	vld.idx.msk [tilespmem:v9+s12+$0x0], $0xffff;
	v6 =	vadd.f32 v6, v5  }
0xd1: {  	v9 =	vand.u32 $0x7F, v15;
	v15 =	vadd.s32 s21, v0;
	v5 =	vld.idx.msk [tilespmem:v11+s5+$0x0], $0xffff  }
.Ltmp2:
0xd2: {  	v9 =	vor.u32 v4, v9;
	v7 =	vmul.f32 v7, v16;
	v8 =	vld.idx.msk [tilespmem:v11+s12+$0x0], $0xffff;
	v17 =	vadd.f32 v10, v6;
	(pc) =	sbr.rel @p0 .LBB2_7-.Ltmp2, $4  }
0xd3: {  	v10 =	vand.u32 $0x7F, v15;
	v15 =	vadd.s32 s31, v0;
	s31 =	smov.u32 s20;
	v6 =	vld.idx.msk [tilespmem:v13+s5+$0x0], $0xffff  }
0xd4: {  	s21 =	sadd.s32 $0xFFFFFFF9, s20;
	v12 =	vmul.f32 v14, v12;
	v10 =	vor.u32 v4, v10;
	v11 =	vld.idx.msk [tilespmem:v13+s12+$0x0], $0xffff;
	v13 =	vadd.f32 v7, v17  }
0xd5: {  	v14 =	vadd.s32 s21, v0;
	v17 =	vand.u32 $0x7F, v15;
	v7 =	vld.idx.msk [tilespmem:v20+s5+$0x0], $0xffff  }
0xd6: {  	s20 =	sadd.s32 $0x8, s20;
	s21 =	sadd.s32 $0xFFFFFFFA, s31;
	v16 =	vmul.f32 v19, v18;
	v15 =	vadd.f32 v12, v13;
	v13 =	vld.idx.msk [tilespmem:v20+s12+$0x0], $0xffff;
	v12 =	vor.u32 v4, v17  }
0xd7: {  	v17 =	vld [tilespmem:s29+$0x480];
	_ =	sdelay $0x4  }
0xd8: {  	v18 =	vand.u32 $0x7FFFFF, v17  }
0xd9: {  	v18 =	vor.u32 $0x3F800000, v18  }
0xda: {  	v19 =	vmul.f32 $5.000000000e-01, v18  }
0xdb: {  	vm0 =	vgt.f32 v18, $1.414213540e+00  }
0xdc: {  	v18 =	vsel vm0, v19, v18  }
0xdd: {  	v19 =	vadd.f32 $1.000000000e+00, v18;
	_ =	sdelay $0x1  }
0xde: {  	(erf) = vrcp.f32 v19;
	_ =	sdelay $0x7  }
0xdf: {  	v25 =	vadd.f32 $-1.000000000e+00, v18  }
0xe0: {  	v14 =	vand.u32 $0x7F, v14;
	v5 =	vmul.f32 v8, v5;
	v28 =	vadd.s32 s21, v0;
	v27 =	vpop (erf)  }
0xe1: {  	v24 =	vld.idx.msk [tilespmem:v9+s5+$0x0], $0xffff;
	s20 =	sadd.s32 $0xFFFFFFFB, s31;
	s21 =	sadd.s32 $0xFFFFFFFC, s31;
	v49 =	vadd.s32 s31, v0;
	v15 =	vadd.f32 v16, v15;
	v8 =	vmul.f32 v27, v25  }
0xe2: {  	v26 =	vld.idx.msk [tilespmem:v9+s12+$0x0], $0xffff;
	v14 =	vor.u32 v4, v14;
	v33 =	vadd.s32 s20, v0;
	v39 =	vadd.s32 s21, v0  }
0xe3: {  	v29 =	vld.idx.msk [tilespmem:v10+s5+$0x0], $0xffff;
	s21 =	sadd.s32 $0xFFFFFFFD, s31;
	v6 =	vmul.f32 v11, v6;
	v11 =	vand.u32 $0x7F, v28;
	v32 =	vmul.f32 v8, v8  }
0xe4: {  	v30 =	vld.idx.msk [tilespmem:v10+s12+$0x0], $0xffff;
	v40 =	vadd.s32 s21, v0;
	s21 =	sadd.s32 $0xFFFFFFFE, s31;
	v5 =	vadd.f32 v5, v15;
	v11 =	vor.u32 v4, v11  }
0xe5: {  	v34 =	vld.idx.msk [tilespmem:v12+s5+$0x0], $0xffff;
	v15 =	vand.u32 $0x7F, v40;
	v43 =	vadd.s32 s21, v0;
	v37 =	vmul.f32 $2.857142980e-01, v32  }
0xe6: {  	v35 =	vld.idx.msk [tilespmem:v12+s12+$0x0], $0xffff;
	v31 =	vmul.f32 v13, v7;
	v13 =	vand.u32 $0x7F, v33;
	v5 =	vadd.f32 v6, v5  }
0xe7: {  	v15 =	vor.u32 v4, v15;
	v13 =	vor.u32 v4, v13;
	v9 =	vadd.f32 $4.000000060e-01, v37  }
0xe8: {  	s21 =	sadd.s32 $0xFFFFFFFF, s31;
	v36 =	vmul.f32 v26, v24;
	v6 =	vand.u32 $0x7F, v39;
	v38 =	vld.idx.msk [tilespmem:v14+s5+$0x0], $0xffff;
	v5 =	vadd.f32 v31, v5  }
0xe9: {  	v46 =	vadd.s32 s21, v0;
	v14 =	vld.idx.msk [tilespmem:v14+s12+$0x0], $0xffff;
	v6 =	vor.u32 v4, v6;
	v9 =	vmul.f32 v9, v32  }
0xea: {  	v10 =	vmul.f32 v30, v29;
	v17 =	vshrl.u32 v17, $0x17;
	v42 =	vld.idx.msk [tilespmem:v11+s5+$0x0], $0xffff;
	v5 =	vadd.f32 v36, v5  }
0xeb: {  	v41 =	vmul.f32 v35, v34;
	v44 =	vadd.s32 $0xFFFFFF81, v17;
	v11 =	vld.idx.msk [tilespmem:v11+s12+$0x0], $0xffff;
	v9 =	vadd.f32 $6.666666860e-01, v9  }
0xec: {  	v16 =	vcvt.s32.f32 v44;
	v45 =	vld.idx.msk [tilespmem:v13+s5+$0x0], $0xffff;
	v18 =	vand.u32 $0x7F, v43;
	v5 =	vadd.f32 v10, v5  }
0xed: {  	v47 =	vsel vm0, $0x3F800000, v2;
	v13 =	vld.idx.msk [tilespmem:v13+s12+$0x0], $0xffff;
	v18 =	vor.u32 v4, v18;
	v7 =	vmul.f32 v9, v32  }
0xee: {  	v14 =	vmul.f32 v14, v38;
	v48 =	vld.idx.msk [tilespmem:v6+s5+$0x0], $0xffff;
	v5 =	vadd.f32 v41, v5;
	v9 =	vand.u32 $0x7F, v46  }
0xef: {  	v16 =	vadd.f32 v16, v47;
	v6 =	vld.idx.msk [tilespmem:v6+s12+$0x0], $0xffff;
	v9 =	vor.u32 v4, v9;
	v7 =	vadd.f32 $2.000000000e+00, v7  }
0xf0: {  	v51 =	vand.u32 $0x7F, v49;
	v50 =	vld.idx.msk [tilespmem:v15+s5+$0x0], $0xffff;
	v11 =	vmul.f32 v11, v42;
	v5 =	vadd.f32 v14, v5  }
0xf1: {  	v15 =	vld.idx.msk [tilespmem:v15+s12+$0x0], $0xffff;
	v52 =	vmul.f32 $6.931471820e-01, v16;
	v4 =	vor.u32 v4, v51;
	v7 =	vmul.f32 v7, v8  }
0xf2: {  	v54 =	vmul.f32 v13, v45;
	v53 =	vld.idx.msk [tilespmem:v18+s5+$0x0], $0xffff;
	v5 =	vadd.f32 v11, v5  }
0xf3: {  	v55 =	vld.idx.msk [tilespmem:v18+s12+$0x0], $0xffff;
	v7 =	vadd.f32 v7, v52  }
0xf4: {  	v6 =	vmul.f32 v6, v48;
	v5 =	vadd.f32 v54, v5;
	v56 =	vld.idx.msk [tilespmem:v9+s5+$0x0], $0xffff  }
0xf5: {  	v9 =	vld.idx.msk [tilespmem:v9+s12+$0x0], $0xffff;
	v57 =	vmul.f32 $7.500000000e-01, v7  }
0xf6: {  	v59 =	vmul.f32 v15, v50;
	v5 =	vadd.f32 v6, v5;
	v58 =	vld.idx.msk [tilespmem:v4+s5+$0x0], $0xffff  }
0xf7: {  	v4 =	vld.idx.msk [tilespmem:v4+s12+$0x0], $0xffff;
	v10 =	vadd.f32 $-3.453877690e+00, v57  }
0xf8: {  	v60 =	vmul.f32 v55, v53;
	v5 =	vadd.f32 v59, v5  }
0xf9: {  	v10 =	vmul.f32 $1.442695020e+00, v10  }
0xfa: {  	v5 =	vadd.f32 v60, v5;
	v61 =	vmul.f32 v9, v56  }
0xfb: {  	v62 =	vld [tilespmem:s29+$0x680];
	(erf) = vpow2.f32 v10  }
0xfc: {  	v4 =	vmul.f32 v4, v58;
	v5 =	vadd.f32 v61, v5  }
0xfd: {  	v63 =	vld [tilespmem:s29+$0x880]  }
0xfe: {  	v4 =	vadd.f32 v4, v5;
	_ =	sdelay $0x1  }
0xff: {  	v4 =	vadd.f32 v62, v4;
	_ =	sdelay $0x1  }
0x100: {  	v4 =	vadd.f32 v63, v4;
	_ =	sdelay $0x1  }
0x101: {  	s26 =	sadd.s32 $0x1, s26;
	v4 =	vsub.f32 v4, v7;
	v5 =	vpop (erf)  }
0x102: {  	p0 =	sne.s32 s26, $0x8;
	v5 =	vmin.f32 v5, $1.000000000e+00  }
.Ltmp3:
0x103: {  	v5 =	vmul.f32 v5, v4;
	(pc) =	sbr.rel @p0 .LBB2_6-.Ltmp3, $3  }
0x104: {  	_ = 	snop  }
0x105: {  	v4 =	vmul.f32 v5, v4;
	_ =	sdelay $0x1  }
0x106: {  	v3 =	vadd.f32 v4, v3  }
0x107: {  	[tilespmem:s5], [sflag:$0x4] =	stream.indirect.gather [hbm4b:s1+s15], $0x80, s28, s15, $0xb8;
	[tilespmem:$0x10A80] =	vst v63  }
0x108: {  	_ = 	snop  }
0x109: {  	[tilespmem:s12], [sflag:$0x4] =	stream.indirect.gather [hbm4b:s2+s15], $0x80, s30, s15, $0xb8;
	[tilespmem:$0x10A80] =	vst v63  }
0x10a: {  	_ =	swait.ge [sflag:s18], $0x4000  }
0x10b: {  	[sflag:s18] =	ssyncset.done $0x0  }
0x10c: {  	[sflag:s18] =	ssyncadd.s32 $0xFFFFC000  }
0x10d: {  	_ =	swait.ge [sflag:s18], $0x4000  }
0x10e: {  	[sflag:s18] =	ssyncset.done $0x0  }
0x10f: {  	s26 =	simm.s32 $0x0;
	[sflag:s18] =	ssyncadd.s32 $0xFFFFC000  }
.LBB2_10:
0x110: {  	s29 =	sshll.u32 s26, $0x4  }
0x111: {  	s20 =	simm.s32 $0x0;
	v4 =	vmov s29  }
0x112: {  	v5 =	vadd.s32 s20, v0;
	v4 =	vshll.u32 v4, $0x7  }
0x113: {  	s21 =	simm.s32 $0x1;
	v5 =	vand.u32 $0x7F, v5;
	v4 =	vor.u32 v1, v4  }
0x114: {  	v6 =	vadd.s32 s21, v0;
	v5 =	vor.u32 v4, v5  }
0x115: {  	s21 =	simm.s32 $0x2;
	v6 =	vand.u32 $0x7F, v6  }
0x116: {  	v7 =	vadd.s32 s21, v0;
	v6 =	vor.u32 v4, v6  }
0x117: {  	s21 =	simm.s32 $0x3;
	v7 =	vand.u32 $0x7F, v7  }
0x118: {  	v8 =	vadd.s32 s21, v0;
	v7 =	vor.u32 v4, v7  }
0x119: {  	s21 =	simm.s32 $0x4;
	v8 =	vand.u32 $0x7F, v8;
	v10 =	vld.idx.msk [tilespmem:v5+s16+$0x0], $0xffff  }
0x11a: {  	v9 =	vadd.s32 s21, v0;
	v12 =	vor.u32 v4, v8;
	v11 =	vld.idx.msk [tilespmem:v5+s17+$0x0], $0xffff  }
0x11b: {  	s21 =	simm.s32 $0x5;
	v13 =	vld.idx.msk [tilespmem:v6+s16+$0x0], $0xffff;
	v5 =	vand.u32 $0x7F, v9  }
0x11c: {  	v16 =	vld.idx.msk [tilespmem:v6+s17+$0x0], $0xffff;
	v6 =	vadd.s32 s21, v0;
	v17 =	vor.u32 v4, v5  }
0x11d: {  	s20 =	simm.s32 $0x6;
	v8 =	vld.idx.msk [tilespmem:v7+s17+$0x0], $0xffff;
	v6 =	vand.u32 $0x7F, v6  }
0x11e: {  	v5 =	vld.idx.msk [tilespmem:v7+s16+$0x0], $0xffff;
	v7 =	vadd.s32 s20, v0;
	v9 =	vor.u32 v4, v6  }
0x11f: {  	s21 =	simm.s32 $0x7;
	v6 =	vld.idx.msk [tilespmem:v12+s16+$0x0], $0xffff;
	v7 =	vand.u32 $0x7F, v7  }
0x120: {  	v18 =	vadd.s32 s21, v0;
	s21 =	simm.s32 $0x8;
	v19 =	vmul.f32 v11, v10;
	v11 =	vld.idx.msk [tilespmem:v12+s17+$0x0], $0xffff;
	v10 =	vor.u32 v4, v7  }
0x121: {  	v15 =	vimm.f32 $0.0e+00;
	v14 =	vadd.s32 s21, v0;
	v12 =	vand.u32 $0x7F, v18;
	v7 =	vld.idx.msk [tilespmem:v17+s16+$0x0], $0xffff  }
0x122: {  	s31 =	simm.s32 $0xF;
	s20 =	simm.s32 $0x17;
	s21 =	simm.s32 $0x9;
	v16 =	vmul.f32 v16, v13;
	v13 =	vld.idx.msk [tilespmem:v17+s17+$0x0], $0xffff;
	v12 =	vor.u32 v4, v12;
	v15 =	vadd.f32 v19, v15  }
.LBB2_11:
0x123: {  	p0 =	sne.s32 s20, $0x7F;
	v14 =	vand.u32 $0x7F, v14;
	v17 =	vadd.s32 s21, v0;
	v18 =	vld.idx.msk [tilespmem:v9+s16+$0x0], $0xffff  }
0x124: {  	s21 =	sadd.s32 $0xFFFFFFFB, s31;
	v5 =	vmul.f32 v8, v5;
	v14 =	vor.u32 v4, v14;
	v15 =	vadd.f32 v16, v15;
	v8 =	vld.idx.msk [tilespmem:v9+s17+$0x0], $0xffff  }
0x125: {  	v9 =	vand.u32 $0x7F, v17;
	v16 =	vadd.s32 s21, v0;
	v17 =	vld.idx.msk [tilespmem:v10+s16+$0x0], $0xffff  }
0x126: {  	s21 =	sadd.s32 $0xFFFFFFFC, s31;
	v9 =	vor.u32 v4, v9;
	v6 =	vmul.f32 v11, v6;
	v5 =	vadd.f32 v5, v15;
	v10 =	vld.idx.msk [tilespmem:v10+s17+$0x0], $0xffff  }
0x127: {  	v11 =	vand.u32 $0x7F, v16;
	v15 =	vadd.s32 s21, v0;
	v16 =	vld.idx.msk [tilespmem:v12+s16+$0x0], $0xffff  }
0x128: {  	v11 =	vor.u32 v4, v11;
	s21 =	sadd.s32 $0xFFFFFFFD, s31;
	v5 =	vadd.f32 v6, v5;
	v6 =	vmul.f32 v13, v7;
	v7 =	vld.idx.msk [tilespmem:v12+s17+$0x0], $0xffff  }
0x129: {  	v13 =	vand.u32 $0x7F, v15;
	v15 =	vadd.s32 s21, v0;
	v12 =	vld.idx.msk [tilespmem:v14+s16+$0x0], $0xffff  }
0x12a: {  	s21 =	sadd.s32 $0xFFFFFFFE, s31;
	v13 =	vor.u32 v4, v13;
	v14 =	vld.idx.msk [tilespmem:v14+s17+$0x0], $0xffff;
	v5 =	vadd.f32 v6, v5;
	v6 =	vmul.f32 v8, v18  }
0x12b: {  	v8 =	vand.u32 $0x7F, v15;
	v15 =	vadd.s32 s21, v0;
	v18 =	vld.idx.msk [tilespmem:v9+s16+$0x0], $0xffff  }
0x12c: {  	s21 =	sadd.s32 $0xFFFFFFFF, s31;
	v20 =	vor.u32 v4, v8;
	v10 =	vmul.f32 v10, v17;
	v19 =	vld.idx.msk [tilespmem:v9+s17+$0x0], $0xffff;
	v6 =	vadd.f32 v6, v5  }
0x12d: {  	v9 =	vand.u32 $0x7F, v15;
	v15 =	vadd.s32 s21, v0;
	v5 =	vld.idx.msk [tilespmem:v11+s16+$0x0], $0xffff  }
.Ltmp4:
0x12e: {  	v9 =	vor.u32 v4, v9;
	v7 =	vmul.f32 v7, v16;
	v8 =	vld.idx.msk [tilespmem:v11+s17+$0x0], $0xffff;
	v17 =	vadd.f32 v10, v6;
	(pc) =	sbr.rel @p0 .LBB2_11-.Ltmp4, $4  }
0x12f: {  	v10 =	vand.u32 $0x7F, v15;
	v15 =	vadd.s32 s31, v0;
	s31 =	smov.u32 s20;
	v6 =	vld.idx.msk [tilespmem:v13+s16+$0x0], $0xffff  }
0x130: {  	s21 =	sadd.s32 $0xFFFFFFF9, s20;
	v12 =	vmul.f32 v14, v12;
	v10 =	vor.u32 v4, v10;
	v11 =	vld.idx.msk [tilespmem:v13+s17+$0x0], $0xffff;
	v13 =	vadd.f32 v7, v17  }
0x131: {  	v14 =	vadd.s32 s21, v0;
	v17 =	vand.u32 $0x7F, v15;
	v7 =	vld.idx.msk [tilespmem:v20+s16+$0x0], $0xffff  }
0x132: {  	s20 =	sadd.s32 $0x8, s20;
	s21 =	sadd.s32 $0xFFFFFFFA, s31;
	v16 =	vmul.f32 v19, v18;
	v15 =	vadd.f32 v12, v13;
	v13 =	vld.idx.msk [tilespmem:v20+s17+$0x0], $0xffff;
	v12 =	vor.u32 v4, v17  }
0x133: {  	v17 =	vld [tilespmem:s29+$0x500];
	_ =	sdelay $0x4  }
0x134: {  	v18 =	vand.u32 $0x7FFFFF, v17  }
0x135: {  	v18 =	vor.u32 $0x3F800000, v18  }
0x136: {  	v19 =	vmul.f32 $5.000000000e-01, v18  }
0x137: {  	vm0 =	vgt.f32 v18, $1.414213540e+00  }
0x138: {  	v18 =	vsel vm0, v19, v18  }
0x139: {  	v19 =	vadd.f32 $1.000000000e+00, v18;
	_ =	sdelay $0x1  }
0x13a: {  	(erf) = vrcp.f32 v19;
	_ =	sdelay $0x7  }
0x13b: {  	v25 =	vadd.f32 $-1.000000000e+00, v18  }
0x13c: {  	v14 =	vand.u32 $0x7F, v14;
	v5 =	vmul.f32 v8, v5;
	v28 =	vadd.s32 s21, v0;
	v27 =	vpop (erf)  }
0x13d: {  	v24 =	vld.idx.msk [tilespmem:v9+s16+$0x0], $0xffff;
	s20 =	sadd.s32 $0xFFFFFFFB, s31;
	s21 =	sadd.s32 $0xFFFFFFFC, s31;
	v49 =	vadd.s32 s31, v0;
	v15 =	vadd.f32 v16, v15;
	v8 =	vmul.f32 v27, v25  }
0x13e: {  	v26 =	vld.idx.msk [tilespmem:v9+s17+$0x0], $0xffff;
	v14 =	vor.u32 v4, v14;
	v33 =	vadd.s32 s20, v0;
	v39 =	vadd.s32 s21, v0  }
0x13f: {  	v29 =	vld.idx.msk [tilespmem:v10+s16+$0x0], $0xffff;
	s21 =	sadd.s32 $0xFFFFFFFD, s31;
	v6 =	vmul.f32 v11, v6;
	v11 =	vand.u32 $0x7F, v28;
	v32 =	vmul.f32 v8, v8  }
0x140: {  	v30 =	vld.idx.msk [tilespmem:v10+s17+$0x0], $0xffff;
	v40 =	vadd.s32 s21, v0;
	s21 =	sadd.s32 $0xFFFFFFFE, s31;
	v5 =	vadd.f32 v5, v15;
	v11 =	vor.u32 v4, v11  }
0x141: {  	v34 =	vld.idx.msk [tilespmem:v12+s16+$0x0], $0xffff;
	v15 =	vand.u32 $0x7F, v40;
	v43 =	vadd.s32 s21, v0;
	v37 =	vmul.f32 $2.857142980e-01, v32  }
0x142: {  	v35 =	vld.idx.msk [tilespmem:v12+s17+$0x0], $0xffff;
	v31 =	vmul.f32 v13, v7;
	v13 =	vand.u32 $0x7F, v33;
	v5 =	vadd.f32 v6, v5  }
0x143: {  	v15 =	vor.u32 v4, v15;
	v13 =	vor.u32 v4, v13;
	v9 =	vadd.f32 $4.000000060e-01, v37  }
0x144: {  	s21 =	sadd.s32 $0xFFFFFFFF, s31;
	v36 =	vmul.f32 v26, v24;
	v6 =	vand.u32 $0x7F, v39;
	v38 =	vld.idx.msk [tilespmem:v14+s16+$0x0], $0xffff;
	v5 =	vadd.f32 v31, v5  }
0x145: {  	v46 =	vadd.s32 s21, v0;
	v14 =	vld.idx.msk [tilespmem:v14+s17+$0x0], $0xffff;
	v6 =	vor.u32 v4, v6;
	v9 =	vmul.f32 v9, v32  }
0x146: {  	v10 =	vmul.f32 v30, v29;
	v17 =	vshrl.u32 v17, $0x17;
	v42 =	vld.idx.msk [tilespmem:v11+s16+$0x0], $0xffff;
	v5 =	vadd.f32 v36, v5  }
0x147: {  	v41 =	vmul.f32 v35, v34;
	v44 =	vadd.s32 $0xFFFFFF81, v17;
	v11 =	vld.idx.msk [tilespmem:v11+s17+$0x0], $0xffff;
	v9 =	vadd.f32 $6.666666860e-01, v9  }
0x148: {  	v16 =	vcvt.s32.f32 v44;
	v45 =	vld.idx.msk [tilespmem:v13+s16+$0x0], $0xffff;
	v18 =	vand.u32 $0x7F, v43;
	v5 =	vadd.f32 v10, v5  }
0x149: {  	v47 =	vsel vm0, $0x3F800000, v2;
	v13 =	vld.idx.msk [tilespmem:v13+s17+$0x0], $0xffff;
	v18 =	vor.u32 v4, v18;
	v7 =	vmul.f32 v9, v32  }
0x14a: {  	v14 =	vmul.f32 v14, v38;
	v48 =	vld.idx.msk [tilespmem:v6+s16+$0x0], $0xffff;
	v5 =	vadd.f32 v41, v5;
	v9 =	vand.u32 $0x7F, v46  }
0x14b: {  	v16 =	vadd.f32 v16, v47;
	v6 =	vld.idx.msk [tilespmem:v6+s17+$0x0], $0xffff;
	v9 =	vor.u32 v4, v9;
	v7 =	vadd.f32 $2.000000000e+00, v7  }
0x14c: {  	v51 =	vand.u32 $0x7F, v49;
	v50 =	vld.idx.msk [tilespmem:v15+s16+$0x0], $0xffff;
	v11 =	vmul.f32 v11, v42;
	v5 =	vadd.f32 v14, v5  }
0x14d: {  	v15 =	vld.idx.msk [tilespmem:v15+s17+$0x0], $0xffff;
	v52 =	vmul.f32 $6.931471820e-01, v16;
	v4 =	vor.u32 v4, v51;
	v7 =	vmul.f32 v7, v8  }
0x14e: {  	v54 =	vmul.f32 v13, v45;
	v53 =	vld.idx.msk [tilespmem:v18+s16+$0x0], $0xffff;
	v5 =	vadd.f32 v11, v5  }
0x14f: {  	v55 =	vld.idx.msk [tilespmem:v18+s17+$0x0], $0xffff;
	v7 =	vadd.f32 v7, v52  }
0x150: {  	v6 =	vmul.f32 v6, v48;
	v5 =	vadd.f32 v54, v5;
	v56 =	vld.idx.msk [tilespmem:v9+s16+$0x0], $0xffff  }
0x151: {  	v9 =	vld.idx.msk [tilespmem:v9+s17+$0x0], $0xffff;
	v57 =	vmul.f32 $7.500000000e-01, v7  }
0x152: {  	v59 =	vmul.f32 v15, v50;
	v5 =	vadd.f32 v6, v5;
	v58 =	vld.idx.msk [tilespmem:v4+s16+$0x0], $0xffff  }
0x153: {  	v4 =	vld.idx.msk [tilespmem:v4+s17+$0x0], $0xffff;
	v10 =	vadd.f32 $-3.453877690e+00, v57  }
0x154: {  	v60 =	vmul.f32 v55, v53;
	v5 =	vadd.f32 v59, v5  }
0x155: {  	v10 =	vmul.f32 $1.442695020e+00, v10  }
0x156: {  	v5 =	vadd.f32 v60, v5;
	v61 =	vmul.f32 v9, v56  }
0x157: {  	v62 =	vld [tilespmem:s29+$0x700];
	(erf) = vpow2.f32 v10  }
0x158: {  	v4 =	vmul.f32 v4, v58;
	v5 =	vadd.f32 v61, v5  }
0x159: {  	v63 =	vld [tilespmem:s29+$0x900]  }
0x15a: {  	v4 =	vadd.f32 v4, v5;
	_ =	sdelay $0x1  }
0x15b: {  	v4 =	vadd.f32 v62, v4;
	_ =	sdelay $0x1  }
0x15c: {  	v4 =	vadd.f32 v63, v4;
	_ =	sdelay $0x1  }
0x15d: {  	s26 =	sadd.s32 $0x1, s26;
	v4 =	vsub.f32 v4, v7;
	v5 =	vpop (erf)  }
0x15e: {  	p0 =	sne.s32 s26, $0x8;
	v5 =	vmin.f32 v5, $1.000000000e+00  }
.Ltmp5:
0x15f: {  	v5 =	vmul.f32 v5, v4;
	(pc) =	sbr.rel @p0 .LBB2_10-.Ltmp5, $3  }
0x160: {  	_ = 	snop  }
0x161: {  	v4 =	vmul.f32 v5, v4;
	_ =	sdelay $0x1  }
0x162: {  	v3 =	vadd.f32 v4, v3  }
0x163: {  	_ =	swait.ge [sflag:s19], $0x4000  }
0x164: {  	[sflag:s19] =	ssyncset.done $0x0  }
0x165: {  	[sflag:s19] =	ssyncadd.s32 $0xFFFFC000  }
0x166: {  	_ =	swait.ge [sflag:s19], $0x4000  }
0x167: {  	[sflag:s19] =	ssyncset.done $0x0  }
0x168: {  	s26 =	simm.s32 $0x0;
	[sflag:s19] =	ssyncadd.s32 $0xFFFFC000  }
.LBB2_14:
0x169: {  	s29 =	sshll.u32 s26, $0x4  }
0x16a: {  	s20 =	simm.s32 $0x0;
	v4 =	vmov s29  }
0x16b: {  	v5 =	vadd.s32 s20, v0;
	v4 =	vshll.u32 v4, $0x7  }
0x16c: {  	s21 =	simm.s32 $0x1;
	v5 =	vand.u32 $0x7F, v5;
	v4 =	vor.u32 v1, v4  }
0x16d: {  	v6 =	vadd.s32 s21, v0;
	v5 =	vor.u32 v4, v5  }
0x16e: {  	s21 =	simm.s32 $0x2;
	v6 =	vand.u32 $0x7F, v6  }
0x16f: {  	v7 =	vadd.s32 s21, v0;
	v6 =	vor.u32 v4, v6  }
0x170: {  	s21 =	simm.s32 $0x3;
	v7 =	vand.u32 $0x7F, v7  }
0x171: {  	v8 =	vadd.s32 s21, v0;
	v7 =	vor.u32 v4, v7  }
0x172: {  	s21 =	simm.s32 $0x4;
	v8 =	vand.u32 $0x7F, v8;
	v10 =	vld.idx.msk [tilespmem:v5+s5+$0x0], $0xffff  }
0x173: {  	v9 =	vadd.s32 s21, v0;
	v12 =	vor.u32 v4, v8;
	v11 =	vld.idx.msk [tilespmem:v5+s12+$0x0], $0xffff  }
0x174: {  	s21 =	simm.s32 $0x5;
	v13 =	vld.idx.msk [tilespmem:v6+s5+$0x0], $0xffff;
	v5 =	vand.u32 $0x7F, v9  }
0x175: {  	v16 =	vld.idx.msk [tilespmem:v6+s12+$0x0], $0xffff;
	v6 =	vadd.s32 s21, v0;
	v17 =	vor.u32 v4, v5  }
0x176: {  	s20 =	simm.s32 $0x6;
	v8 =	vld.idx.msk [tilespmem:v7+s12+$0x0], $0xffff;
	v6 =	vand.u32 $0x7F, v6  }
0x177: {  	v5 =	vld.idx.msk [tilespmem:v7+s5+$0x0], $0xffff;
	v7 =	vadd.s32 s20, v0;
	v9 =	vor.u32 v4, v6  }
0x178: {  	s21 =	simm.s32 $0x7;
	v6 =	vld.idx.msk [tilespmem:v12+s5+$0x0], $0xffff;
	v7 =	vand.u32 $0x7F, v7  }
0x179: {  	v18 =	vadd.s32 s21, v0;
	s21 =	simm.s32 $0x8;
	v19 =	vmul.f32 v11, v10;
	v11 =	vld.idx.msk [tilespmem:v12+s12+$0x0], $0xffff;
	v10 =	vor.u32 v4, v7  }
0x17a: {  	v15 =	vimm.f32 $0.0e+00;
	v14 =	vadd.s32 s21, v0;
	v12 =	vand.u32 $0x7F, v18;
	v7 =	vld.idx.msk [tilespmem:v17+s5+$0x0], $0xffff  }
0x17b: {  	s31 =	simm.s32 $0xF;
	s20 =	simm.s32 $0x17;
	s21 =	simm.s32 $0x9;
	v16 =	vmul.f32 v16, v13;
	v13 =	vld.idx.msk [tilespmem:v17+s12+$0x0], $0xffff;
	v12 =	vor.u32 v4, v12;
	v15 =	vadd.f32 v19, v15  }
.LBB2_15:
0x17c: {  	p0 =	sne.s32 s20, $0x7F;
	v14 =	vand.u32 $0x7F, v14;
	v17 =	vadd.s32 s21, v0;
	v18 =	vld.idx.msk [tilespmem:v9+s5+$0x0], $0xffff  }
0x17d: {  	s21 =	sadd.s32 $0xFFFFFFFB, s31;
	v5 =	vmul.f32 v8, v5;
	v14 =	vor.u32 v4, v14;
	v15 =	vadd.f32 v16, v15;
	v8 =	vld.idx.msk [tilespmem:v9+s12+$0x0], $0xffff  }
0x17e: {  	v9 =	vand.u32 $0x7F, v17;
	v16 =	vadd.s32 s21, v0;
	v17 =	vld.idx.msk [tilespmem:v10+s5+$0x0], $0xffff  }
0x17f: {  	s21 =	sadd.s32 $0xFFFFFFFC, s31;
	v9 =	vor.u32 v4, v9;
	v6 =	vmul.f32 v11, v6;
	v5 =	vadd.f32 v5, v15;
	v10 =	vld.idx.msk [tilespmem:v10+s12+$0x0], $0xffff  }
0x180: {  	v11 =	vand.u32 $0x7F, v16;
	v15 =	vadd.s32 s21, v0;
	v16 =	vld.idx.msk [tilespmem:v12+s5+$0x0], $0xffff  }
0x181: {  	v11 =	vor.u32 v4, v11;
	s21 =	sadd.s32 $0xFFFFFFFD, s31;
	v5 =	vadd.f32 v6, v5;
	v6 =	vmul.f32 v13, v7;
	v7 =	vld.idx.msk [tilespmem:v12+s12+$0x0], $0xffff  }
0x182: {  	v13 =	vand.u32 $0x7F, v15;
	v15 =	vadd.s32 s21, v0;
	v12 =	vld.idx.msk [tilespmem:v14+s5+$0x0], $0xffff  }
0x183: {  	s21 =	sadd.s32 $0xFFFFFFFE, s31;
	v13 =	vor.u32 v4, v13;
	v14 =	vld.idx.msk [tilespmem:v14+s12+$0x0], $0xffff;
	v5 =	vadd.f32 v6, v5;
	v6 =	vmul.f32 v8, v18  }
0x184: {  	v8 =	vand.u32 $0x7F, v15;
	v15 =	vadd.s32 s21, v0;
	v18 =	vld.idx.msk [tilespmem:v9+s5+$0x0], $0xffff  }
0x185: {  	s21 =	sadd.s32 $0xFFFFFFFF, s31;
	v20 =	vor.u32 v4, v8;
	v10 =	vmul.f32 v10, v17;
	v19 =	vld.idx.msk [tilespmem:v9+s12+$0x0], $0xffff;
	v6 =	vadd.f32 v6, v5  }
0x186: {  	v9 =	vand.u32 $0x7F, v15;
	v15 =	vadd.s32 s21, v0;
	v5 =	vld.idx.msk [tilespmem:v11+s5+$0x0], $0xffff  }
.Ltmp6:
0x187: {  	v9 =	vor.u32 v4, v9;
	v7 =	vmul.f32 v7, v16;
	v8 =	vld.idx.msk [tilespmem:v11+s12+$0x0], $0xffff;
	v17 =	vadd.f32 v10, v6;
	(pc) =	sbr.rel @p0 .LBB2_15-.Ltmp6, $4  }
0x188: {  	v10 =	vand.u32 $0x7F, v15;
	v15 =	vadd.s32 s31, v0;
	s31 =	smov.u32 s20;
	v6 =	vld.idx.msk [tilespmem:v13+s5+$0x0], $0xffff  }
0x189: {  	s21 =	sadd.s32 $0xFFFFFFF9, s20;
	v12 =	vmul.f32 v14, v12;
	v10 =	vor.u32 v4, v10;
	v11 =	vld.idx.msk [tilespmem:v13+s12+$0x0], $0xffff;
	v13 =	vadd.f32 v7, v17  }
0x18a: {  	v14 =	vadd.s32 s21, v0;
	v17 =	vand.u32 $0x7F, v15;
	v7 =	vld.idx.msk [tilespmem:v20+s5+$0x0], $0xffff  }
0x18b: {  	s20 =	sadd.s32 $0x8, s20;
	s21 =	sadd.s32 $0xFFFFFFFA, s31;
	v16 =	vmul.f32 v19, v18;
	v15 =	vadd.f32 v12, v13;
	v13 =	vld.idx.msk [tilespmem:v20+s12+$0x0], $0xffff;
	v12 =	vor.u32 v4, v17  }
0x18c: {  	v17 =	vld [tilespmem:s29+$0x580];
	_ =	sdelay $0x4  }
0x18d: {  	v18 =	vand.u32 $0x7FFFFF, v17  }
0x18e: {  	v18 =	vor.u32 $0x3F800000, v18  }
0x18f: {  	v19 =	vmul.f32 $5.000000000e-01, v18  }
0x190: {  	vm0 =	vgt.f32 v18, $1.414213540e+00  }
0x191: {  	v18 =	vsel vm0, v19, v18  }
0x192: {  	v19 =	vadd.f32 $1.000000000e+00, v18;
	_ =	sdelay $0x1  }
0x193: {  	(erf) = vrcp.f32 v19;
	_ =	sdelay $0x7  }
0x194: {  	v25 =	vadd.f32 $-1.000000000e+00, v18  }
0x195: {  	v14 =	vand.u32 $0x7F, v14;
	v5 =	vmul.f32 v8, v5;
	v28 =	vadd.s32 s21, v0;
	v27 =	vpop (erf)  }
0x196: {  	v24 =	vld.idx.msk [tilespmem:v9+s5+$0x0], $0xffff;
	s20 =	sadd.s32 $0xFFFFFFFB, s31;
	s21 =	sadd.s32 $0xFFFFFFFC, s31;
	v49 =	vadd.s32 s31, v0;
	v15 =	vadd.f32 v16, v15;
	v8 =	vmul.f32 v27, v25  }
0x197: {  	v26 =	vld.idx.msk [tilespmem:v9+s12+$0x0], $0xffff;
	v14 =	vor.u32 v4, v14;
	v33 =	vadd.s32 s20, v0;
	v39 =	vadd.s32 s21, v0  }
0x198: {  	v29 =	vld.idx.msk [tilespmem:v10+s5+$0x0], $0xffff;
	s21 =	sadd.s32 $0xFFFFFFFD, s31;
	v6 =	vmul.f32 v11, v6;
	v11 =	vand.u32 $0x7F, v28;
	v32 =	vmul.f32 v8, v8  }
0x199: {  	v30 =	vld.idx.msk [tilespmem:v10+s12+$0x0], $0xffff;
	v40 =	vadd.s32 s21, v0;
	s21 =	sadd.s32 $0xFFFFFFFE, s31;
	v5 =	vadd.f32 v5, v15;
	v11 =	vor.u32 v4, v11  }
0x19a: {  	v34 =	vld.idx.msk [tilespmem:v12+s5+$0x0], $0xffff;
	v15 =	vand.u32 $0x7F, v40;
	v43 =	vadd.s32 s21, v0;
	v37 =	vmul.f32 $2.857142980e-01, v32  }
0x19b: {  	v35 =	vld.idx.msk [tilespmem:v12+s12+$0x0], $0xffff;
	v31 =	vmul.f32 v13, v7;
	v13 =	vand.u32 $0x7F, v33;
	v5 =	vadd.f32 v6, v5  }
0x19c: {  	v15 =	vor.u32 v4, v15;
	v13 =	vor.u32 v4, v13;
	v9 =	vadd.f32 $4.000000060e-01, v37  }
0x19d: {  	s21 =	sadd.s32 $0xFFFFFFFF, s31;
	v36 =	vmul.f32 v26, v24;
	v6 =	vand.u32 $0x7F, v39;
	v38 =	vld.idx.msk [tilespmem:v14+s5+$0x0], $0xffff;
	v5 =	vadd.f32 v31, v5  }
0x19e: {  	v46 =	vadd.s32 s21, v0;
	v14 =	vld.idx.msk [tilespmem:v14+s12+$0x0], $0xffff;
	v6 =	vor.u32 v4, v6;
	v9 =	vmul.f32 v9, v32  }
0x19f: {  	v10 =	vmul.f32 v30, v29;
	v17 =	vshrl.u32 v17, $0x17;
	v42 =	vld.idx.msk [tilespmem:v11+s5+$0x0], $0xffff;
	v5 =	vadd.f32 v36, v5  }
0x1a0: {  	v41 =	vmul.f32 v35, v34;
	v44 =	vadd.s32 $0xFFFFFF81, v17;
	v11 =	vld.idx.msk [tilespmem:v11+s12+$0x0], $0xffff;
	v9 =	vadd.f32 $6.666666860e-01, v9  }
0x1a1: {  	v16 =	vcvt.s32.f32 v44;
	v45 =	vld.idx.msk [tilespmem:v13+s5+$0x0], $0xffff;
	v18 =	vand.u32 $0x7F, v43;
	v5 =	vadd.f32 v10, v5  }
0x1a2: {  	v47 =	vsel vm0, $0x3F800000, v2;
	v13 =	vld.idx.msk [tilespmem:v13+s12+$0x0], $0xffff;
	v18 =	vor.u32 v4, v18;
	v7 =	vmul.f32 v9, v32  }
0x1a3: {  	v14 =	vmul.f32 v14, v38;
	v48 =	vld.idx.msk [tilespmem:v6+s5+$0x0], $0xffff;
	v5 =	vadd.f32 v41, v5;
	v9 =	vand.u32 $0x7F, v46  }
0x1a4: {  	v16 =	vadd.f32 v16, v47;
	v6 =	vld.idx.msk [tilespmem:v6+s12+$0x0], $0xffff;
	v9 =	vor.u32 v4, v9;
	v7 =	vadd.f32 $2.000000000e+00, v7  }
0x1a5: {  	v51 =	vand.u32 $0x7F, v49;
	v50 =	vld.idx.msk [tilespmem:v15+s5+$0x0], $0xffff;
	v11 =	vmul.f32 v11, v42;
	v5 =	vadd.f32 v14, v5  }
0x1a6: {  	v15 =	vld.idx.msk [tilespmem:v15+s12+$0x0], $0xffff;
	v52 =	vmul.f32 $6.931471820e-01, v16;
	v4 =	vor.u32 v4, v51;
	v7 =	vmul.f32 v7, v8  }
0x1a7: {  	v54 =	vmul.f32 v13, v45;
	v53 =	vld.idx.msk [tilespmem:v18+s5+$0x0], $0xffff;
	v5 =	vadd.f32 v11, v5  }
0x1a8: {  	v55 =	vld.idx.msk [tilespmem:v18+s12+$0x0], $0xffff;
	v7 =	vadd.f32 v7, v52  }
0x1a9: {  	v6 =	vmul.f32 v6, v48;
	v5 =	vadd.f32 v54, v5;
	v56 =	vld.idx.msk [tilespmem:v9+s5+$0x0], $0xffff  }
0x1aa: {  	v9 =	vld.idx.msk [tilespmem:v9+s12+$0x0], $0xffff;
	v57 =	vmul.f32 $7.500000000e-01, v7  }
0x1ab: {  	v59 =	vmul.f32 v15, v50;
	v5 =	vadd.f32 v6, v5;
	v58 =	vld.idx.msk [tilespmem:v4+s5+$0x0], $0xffff  }
0x1ac: {  	v4 =	vld.idx.msk [tilespmem:v4+s12+$0x0], $0xffff;
	v10 =	vadd.f32 $-3.453877690e+00, v57  }
0x1ad: {  	v60 =	vmul.f32 v55, v53;
	v5 =	vadd.f32 v59, v5  }
0x1ae: {  	v10 =	vmul.f32 $1.442695020e+00, v10  }
0x1af: {  	v5 =	vadd.f32 v60, v5;
	v61 =	vmul.f32 v9, v56  }
0x1b0: {  	v62 =	vld [tilespmem:s29+$0x780];
	(erf) = vpow2.f32 v10  }
0x1b1: {  	v4 =	vmul.f32 v4, v58;
	v5 =	vadd.f32 v61, v5  }
0x1b2: {  	v63 =	vld [tilespmem:s29+$0x980]  }
0x1b3: {  	v4 =	vadd.f32 v4, v5;
	_ =	sdelay $0x1  }
0x1b4: {  	v4 =	vadd.f32 v62, v4;
	_ =	sdelay $0x1  }
0x1b5: {  	v4 =	vadd.f32 v63, v4;
	_ =	sdelay $0x1  }
0x1b6: {  	s26 =	sadd.s32 $0x1, s26;
	v4 =	vsub.f32 v4, v7;
	v5 =	vpop (erf)  }
0x1b7: {  	p0 =	sne.s32 s26, $0x8;
	v5 =	vmin.f32 v5, $1.000000000e+00  }
.Ltmp7:
0x1b8: {  	v5 =	vmul.f32 v5, v4;
	(pc) =	sbr.rel @p0 .LBB2_14-.Ltmp7, $3  }
0x1b9: {  	_ = 	snop  }
0x1ba: {  	v4 =	vmul.f32 v5, v4;
	_ =	sdelay $0x1  }
0x1bb: {  	v3 =	vadd.f32 v4, v3  }
0x1bc: {  	s24 =	sadd.s32 $0x1, s24  }
0x1bd: {  	p0 =	sne.s32 s24, s11  }
.Ltmp8:
0x1be: {  	s20 =	simm.s32 $0x10A00;
	[tilespmem:$0x10A00] =	vst v3;
	(pc) =	sbr.rel @p0 .LBB2_1-.Ltmp8, $4  }
0x1bf: {  	[hbm4b:s10+s6] =	stream.linear.scatter [tilespmem:s20], [sflag:$0x5], $0x80, $0x38;
	[tilespmem:$0x10A80] =	vst v63  }
0x1c0: {  	_ =	swait.ge [sflag:s22], $0x80  }
0x1c1: {  	[sflag:s22] =	ssyncset.done $0x0  }
0x1c2: {  	[sflag:s22] =	ssyncadd.s32 $0xFFFFFF80  }
0x1c3: {  	_ =	sfence.sel $0x180000  }
0x1c4: {  	[bflag:$0x0] =	sbarrier.arrive $0xFFFF  }
0x1c5: {  	_ =	strace $0x90000047  }
0x1c6: {  	s0 =	stileid.u32;
	[bflag:$0x2] =	sbarrier.arrive $0xFFFF  }
0x1c7: {  	p0 =	sne.s32 s0, $0x0;
	s0 =	rddreg [dreg:$0x8]  }
0x1c8: {  	s0 =	sadd.s32 @!p0 $0x100000, s0  }
0x1c9: {  	[sflag:s0] =	ssyncadd.tile.s32 @!p0 $0x1;
	_ =	shalt  }
.Lfunc_end2:
_tile_overlayer_lowered:
.L_overlay_start_2:
0x1ca: {  	(tag) =	ssettag $0x2  }
0x1cb: {  	s0 =	rddreg [dreg:$0x0];
	s2 =	stileid.u32  }
0x1cc: {  	s1 =	rddreg [dreg:$0x1];
	p0 =	sne.s32 s2, $0x0  }
0x1cd: {  	s3 =	rddreg [dreg:$0x2];
	[bflag:$0x3] =	sbarrier.arrive $0xFFFF;
	s2 =	simm.s32 @!p0 $0x1C05  }
0x1ce: {  	[timem:s3], [sflag:s2] =	dma.local @!p0 [hbm:s0], s1  }
0x1cf: {  	s0 =	simm.s32 @!p0 $0x5  }
0x1d0: {  	_ =	swait.ge @!p0 [sflag:s0], s1  }
0x1d1: {  	s1 =	ssub.s32 @!p0 $0x0, s1;
	[sflag:s0] =	ssyncset.done @!p0 $0x0  }
0x1d2: {  	[sflag:s0] =	ssyncadd.s32 @!p0 s1  }
0x1d3: {  	[bflag:$0x3] =	sbarrier.arrive $0xFFFF  }
0x1d4: {  	_ =	shalt  }

</sc_bundles>
